<compile_context>
chip_gen: v7x
topology: tpu7x:2x2x1
jax: 0.10.2.dev20260603
libtpu: 0.0.44.dev20260713+nightly
codegen_flags: <defaults>
</compile_context>

<pallas_src>
import functools

import jax
import jax.numpy as jnp
from jax import lax
from jax.experimental import pallas as pl
from jax.experimental.pallas import tpu as pltpu
from jax.experimental.pallas import tpu_sc as plsc

B, S, H = 4096, 200, 64
N = B * S
MAX_OBJ = 1000
TYPE_VOCAB = 2
EPS = 1e-12

NC, NS, L = 2, 16, 16
NW = NC * NS
TOK_PER_W = N // NW
IW = 128
C = 256
N_CHUNKS = TOK_PER_W // C
ROWS_PER_W = TOK_PER_W // IW
G = C // L
GPR = IW // L


def _sc_body(ids, pt_ids, obj_ids, word_t, combo_t, obj_t, ln_g, ln_b,
             emb_out, obj_out,
             idx0, idx1, w0, w1, o0, o1, ubuf, combo_res, gbuf, bbuf,
             grot, brot, obj_s,
             s_idx0, s_idx1, s_gw0, s_gw1, s_go0, s_go1, s_os0, s_os1, s_es):
    idxb = (idx0, idx1)
    wb, ob = (w0, w1), (o0, o1)
    s_idx, s_gw, s_go = (s_idx0, s_idx1), (s_gw0, s_gw1), (s_go0, s_go1)
    s_os = (s_os0, s_os1)

    wid = lax.axis_index("s") * NC + lax.axis_index("c")
    tok0 = wid * TOK_PER_W
    row0 = wid * ROWS_PER_W
    pltpu.sync_copy(ln_g, gbuf)
    pltpu.sync_copy(ln_b, bbuf)
    pltpu.sync_copy(combo_t, combo_res)

    @pl.when(lax.axis_index("s") == 0)
    def _():
        pltpu.sync_copy(obj_t, obj_s)
    plsc.subcore_barrier()

    lane = lax.iota(jnp.int32, L)
    for h in range(H):
        hv = (h + lane) & (H - 1)
        grot[pl.ds(h * L, L)] = plsc.load_gather(gbuf, [hv])
        brot[pl.ds(h * L, L)] = plsc.load_gather(bbuf, [hv])

    def idx_copies(c, b):
        r = row0 + c * (C // IW)
        return (pltpu.make_async_copy(ids.at[pl.ds(r, C // IW)], idxb[b].at[0], s_idx[b]),
                pltpu.make_async_copy(pt_ids.at[pl.ds(r, C // IW)], idxb[b].at[1], s_idx[b]),
                pltpu.make_async_copy(obj_ids.at[pl.ds(r, C // IW)], idxb[b].at[2], s_idx[b]))

    def gather_copies(b):
        out = []
        for j in range(C // IW):
            sl = pl.ds(j * IW, IW)
        return out

    def ow_copy(c, b):
        return pltpu.make_async_copy(ob[b], obj_out.at[pl.ds(tok0 + c * C, C)], s_os[b])

    def ew_copy(c):
        return pltpu.make_async_copy(ubuf, emb_out.at[pl.ds(tok0 + c * C, C)], s_es)

    def compute(wcur, idxcur):
        @plsc.parallel_loop(0, G, 1)
        def group(g):
            tok = g * L + lax.iota(jnp.int32, L)
            skew = lax.iota(jnp.int32, L)
            ptv = plsc.load_gather(
                idxcur, [jnp.full((L,), 1, jnp.int32), tok >> 7, tok & (IW - 1)])
            zero = jnp.zeros((L,), jnp.float32)

            @plsc.parallel_loop(0, H, 4, unroll=2, carry=(zero, zero, zero, zero))
            def pass1(h, acc):
                a0, a1, q0, q1 = acc
                hv0 = (skew + h) & (H - 1)
                hv1 = (skew + h + 1) & (H - 1)
                hv2 = (skew + h + 2) & (H - 1)
                hv3 = (skew + h + 3) & (H - 1)
                x0 = plsc.load_gather(wcur, [tok, hv0]) + plsc.load_gather(combo_res, [ptv, hv0])
                x1 = plsc.load_gather(wcur, [tok, hv1]) + plsc.load_gather(combo_res, [ptv, hv1])
                x2 = plsc.load_gather(wcur, [tok, hv2]) + plsc.load_gather(combo_res, [ptv, hv2])
                x3 = plsc.load_gather(wcur, [tok, hv3]) + plsc.load_gather(combo_res, [ptv, hv3])
                return (a0 + (x0 + x2), a1 + (x1 + x3),
                        q0 + (x0 * x0 + x2 * x2), q1 + (x1 * x1 + x3 * x3))

            a0, a1, q0, q1 = pass1
            mu = (a0 + a1) * (1.0 / H)
            var = (q0 + q1) * (1.0 / H) - mu * mu + EPS
            i = plsc.bitcast(var, jnp.int32)
            y = plsc.bitcast(jnp.int32(0x5F3759DF) - lax.shift_right_arithmetic(i, 1),
                             jnp.float32)
            for _ in range(3):
                y = y * (1.5 - 0.5 * var * y * y)

            @plsc.parallel_loop(0, H, 2, unroll=4)
            def pass2(h):
                hv0 = (skew + h) & (H - 1)
                hv1 = (skew + h + 1) & (H - 1)
                x0 = plsc.load_gather(wcur, [tok, hv0]) + plsc.load_gather(combo_res, [ptv, hv0])
                x1 = plsc.load_gather(wcur, [tok, hv1]) + plsc.load_gather(combo_res, [ptv, hv1])
                o0 = (x0 - mu) * y * grot[pl.ds(h * L, L)] + brot[pl.ds(h * L, L)]
                o1 = (x1 - mu) * y * grot[pl.ds(h * L + L, L)] + brot[pl.ds(h * L + L, L)]
                plsc.store_scatter(ubuf, [tok, hv0], o0)
                plsc.store_scatter(ubuf, [tok, hv1], o1)


    def outer(i, carry):
        for b in (0, 1):
            c = 2 * i + b
            ubuf[0, pl.ds(0, L)] = jnp.float32(c) + jnp.zeros((L,), jnp.float32)
        return carry

    lax.fori_loop(0, 1, outer, 0)

    ew_copy(N_CHUNKS - 1).start()
    ew_copy(N_CHUNKS - 1).wait()


_sc_call = functools.partial(
    pl.kernel,
    out_type=(jax.ShapeDtypeStruct((N, H), jnp.float32),
              jax.ShapeDtypeStruct((N, H), jnp.float32)),
    mesh=plsc.VectorSubcoreMesh(core_axis_name="c", subcore_axis_name="s"),
    compiler_params=pltpu.CompilerParams(needs_layout_passes=False,
                                         use_tc_tiling_on_sc=False),
    scratch_types=[
        pltpu.VMEM((3, C // IW, IW), jnp.int32),
        pltpu.VMEM((3, C // IW, IW), jnp.int32),
        pltpu.VMEM((C, H), jnp.float32),
        pltpu.VMEM((C, H), jnp.float32),
        pltpu.VMEM((C, H), jnp.float32),
        pltpu.VMEM((C, H), jnp.float32),
        pltpu.VMEM((C, H), jnp.float32),
        pltpu.VMEM((S * TYPE_VOCAB, H), jnp.float32),
        pltpu.VMEM((H,), jnp.float32),
        pltpu.VMEM((H,), jnp.float32),
        pltpu.VMEM((H * L,), jnp.float32),
        pltpu.VMEM((H * L,), jnp.float32),
        pltpu.VMEM_SHARED((MAX_OBJ, H), jnp.float32),
        pltpu.SemaphoreType.DMA,
        pltpu.SemaphoreType.DMA,
        pltpu.SemaphoreType.DMA,
        pltpu.SemaphoreType.DMA,
        pltpu.SemaphoreType.DMA,
        pltpu.SemaphoreType.DMA,
        pltpu.SemaphoreType.DMA,
        pltpu.SemaphoreType.DMA,
        pltpu.SemaphoreType.DMA,
    ],
)(_sc_body)


def kernel(input_ids, token_type_ids, position_ids, act_txt, obj_txt,
           word_table, pos_table, type_table, obj_table, ln_gamma, ln_beta):
    del act_txt
    ids = input_ids.reshape(N // IW, IW)
    pt_ids = (position_ids * TYPE_VOCAB + token_type_ids).reshape(N // IW, IW)
    obj_ids = obj_txt.reshape(N // IW, IW)
    combo = (pos_table[:S, None, :] + type_table[None, :, :]).reshape(
        S * TYPE_VOCAB, H)
    emb, obj = _sc_call(ids, pt_ids, obj_ids, word_table, combo, obj_table,
                        ln_gamma, ln_beta)
    return emb.reshape(B, S, H), obj.reshape(B, S, H)

# --- scband reference (transcript-rebuilt; emitter-appended) ---
"""Pipeline reference for scband-bert-embeddings-28011776704917 (READ-ONLY COPY).

The authoritative reference and input builder live on the scoring server;
editing this copy changes nothing except your own understanding.
"""

import jax, jax.numpy as jnp
import numpy as np

B, S, H = 4096, 200, 64
VOCAB = 1000000
MAX_POS = 512
TYPE_VOCAB = 2
MAX_OBJ = 1000
EPS = 1e-12


def setup_inputs(seed: int = 0) -> dict:
    key = jax.random.key(seed)
    ks = jax.random.split(key, 10)
    inp = {
        "input_ids": jax.random.randint(ks[0], (B, S), 0, VOCAB, dtype=jnp.int32),
        "token_type_ids": jax.random.randint(ks[1], (B, S), 0, TYPE_VOCAB, dtype=jnp.int32),
        "position_ids": jax.random.randint(ks[2], (B, S), 0, S, dtype=jnp.int32),
        "act_txt": jax.random.randint(ks[3], (B, S), 0, 100, dtype=jnp.int32),
        "obj_txt": jax.random.randint(ks[4], (B, S), 0, MAX_OBJ, dtype=jnp.int32),
        "word_table": jax.random.normal(ks[5], (VOCAB, H), dtype=jnp.float32) * 0.02,
        "pos_table": jax.random.normal(ks[6], (MAX_POS, H), dtype=jnp.float32) * 0.02,
        "type_table": jax.random.normal(ks[7], (TYPE_VOCAB, H), dtype=jnp.float32) * 0.02,
        "obj_table": jax.random.normal(ks[8], (MAX_OBJ, H), dtype=jnp.float32) * 0.02,
        "ln_gamma": jnp.ones((H,), dtype=jnp.float32),
        "ln_beta": jnp.zeros((H,), dtype=jnp.float32),
    }
    # padding_idx=0 on word_embeddings
    inp["word_table"] = inp["word_table"].at[0].set(0.0)
    return inp


def _layernorm(x, gamma, beta, eps):
    mu = jnp.mean(x, axis=-1, keepdims=True)
    var = jnp.mean(jnp.square(x - mu), axis=-1, keepdims=True)
    return (x - mu) / jnp.sqrt(var + eps) * gamma + beta


def reference(input_ids, token_type_ids, position_ids, act_txt, obj_txt,
              word_table, pos_table, type_table, obj_table, ln_gamma, ln_beta):
    words_embeddings = jnp.take(word_table, input_ids, axis=0)
    position_embeddings = jnp.take(pos_table, position_ids, axis=0)
    token_type_embeddings = jnp.take(type_table, token_type_ids, axis=0)
    embeddings = words_embeddings + position_embeddings + token_type_embeddings
    embeddings = _layernorm(embeddings, ln_gamma, ln_beta, EPS)
    # dropout is identity in eval mode
    obj_embeddings = jnp.take(obj_table, obj_txt, axis=0)
    return (embeddings, obj_embeddings)

if __name__ == "__main__":
    import jax
    _d = setup_inputs()
    print(jax.jit(kernel)(*tuple(_d.values())))

</pallas_src>

<mosaic_0001>
#map = affine_map<(d0, d1) -> (0, 0)>
#map1 = affine_map<(d0, d1) -> (0)>
module attributes {stable_mosaic.version = 14 : i64} {
  func.func @_sc_body(%arg0: i32, %arg1: i32, %arg2: memref<6400x128xi32, #tpu.memory_space<hbm>>, %arg3: memref<6400x128xi32, #tpu.memory_space<hbm>>, %arg4: memref<6400x128xi32, #tpu.memory_space<hbm>>, %arg5: memref<1000000x64xf32, #tpu.memory_space<hbm>>, %arg6: memref<400x64xf32, #tpu.memory_space<hbm>>, %arg7: memref<1000x64xf32, #tpu.memory_space<hbm>>, %arg8: memref<64xf32, #tpu.memory_space<hbm>>, %arg9: memref<64xf32, #tpu.memory_space<hbm>>, %arg10: memref<819200x64xf32, #tpu.memory_space<hbm>>, %arg11: memref<819200x64xf32, #tpu.memory_space<hbm>>, %arg12: memref<3x2x128xi32, #tpu.memory_space<vmem>>, %arg13: memref<3x2x128xi32, #tpu.memory_space<vmem>>, %arg14: memref<256x64xf32, #tpu.memory_space<vmem>>, %arg15: memref<256x64xf32, #tpu.memory_space<vmem>>, %arg16: memref<256x64xf32, #tpu.memory_space<vmem>>, %arg17: memref<256x64xf32, #tpu.memory_space<vmem>>, %arg18: memref<256x64xf32, #tpu.memory_space<vmem>>, %arg19: memref<400x64xf32, #tpu.memory_space<vmem>>, %arg20: memref<64xf32, #tpu.memory_space<vmem>>, %arg21: memref<64xf32, #tpu.memory_space<vmem>>, %arg22: memref<1024xf32, #tpu.memory_space<vmem>>, %arg23: memref<1024xf32, #tpu.memory_space<vmem>>, %arg24: memref<1000x64xf32, #tpu.memory_space<vmem_shared>>, %arg25: memref<!tpu.dma_semaphore, #tpu.memory_space<semaphore_mem>>, %arg26: memref<!tpu.dma_semaphore, #tpu.memory_space<semaphore_mem>>, %arg27: memref<!tpu.dma_semaphore, #tpu.memory_space<semaphore_mem>>, %arg28: memref<!tpu.dma_semaphore, #tpu.memory_space<semaphore_mem>>, %arg29: memref<!tpu.dma_semaphore, #tpu.memory_space<semaphore_mem>>, %arg30: memref<!tpu.dma_semaphore, #tpu.memory_space<semaphore_mem>>, %arg31: memref<!tpu.dma_semaphore, #tpu.memory_space<semaphore_mem>>, %arg32: memref<!tpu.dma_semaphore, #tpu.memory_space<semaphore_mem>>, %arg33: memref<!tpu.dma_semaphore, #tpu.memory_space<semaphore_mem>>) attributes {dimension_semantics = [#tpu.dimension_semantics<core_parallel>, #tpu.dimension_semantics<subcore_parallel>], iteration_bounds = array<i64: 2, 16>, scalar_prefetch = 0 : i64, scratch_operands = 22 : i64, tpu.core_type = #tpu.core_type<sc_vector_subcore>, window_params = [{transform_indices = #map}, {transform_indices = #map}, {transform_indices = #map}, {transform_indices = #map}, {transform_indices = #map}, {transform_indices = #map}, {transform_indices = #map1}, {transform_indices = #map1}, {transform_indices = #map}, {transform_indices = #map}]} {
    %mul3A = arith.constant 2 : i32
    %mul3A_0 = arith.muli %arg1, %mul3A : i32
    %add3A = arith.addi %mul3A_0, %arg0 : i32
    %mul3A_1 = arith.constant 25600 : i32
    %mul3A_2 = arith.muli %add3A, %mul3A_1 : i32
    %mul3A_3 = arith.constant 200 : i32
    %mul3A_4 = arith.muli %add3A, %mul3A_3 : i32
    "tpu.region"() ({
      %run_scoped3A = tpu.sem_alloc : memref<!tpu.dma_semaphore, #tpu.memory_space<semaphore_mem>>
      tpu.enqueue_dma source(%arg8 : memref<64xf32, #tpu.memory_space<hbm>>) target(%arg20 : memref<64xf32, #tpu.memory_space<vmem>>) target_semaphore(%run_scoped3A : memref<!tpu.dma_semaphore, #tpu.memory_space<semaphore_mem>>)
      tpu.wait_dma2 semaphore(%run_scoped3A : memref<!tpu.dma_semaphore, #tpu.memory_space<semaphore_mem>>) src(%arg8 : memref<64xf32, #tpu.memory_space<hbm>>) dst(%arg20 : memref<64xf32, #tpu.memory_space<vmem>>)
      tpu.yield
    }) : () -> ()
    "tpu.region"() ({
      %run_scoped3A = tpu.sem_alloc : memref<!tpu.dma_semaphore, #tpu.memory_space<semaphore_mem>>
      tpu.enqueue_dma source(%arg9 : memref<64xf32, #tpu.memory_space<hbm>>) target(%arg21 : memref<64xf32, #tpu.memory_space<vmem>>) target_semaphore(%run_scoped3A : memref<!tpu.dma_semaphore, #tpu.memory_space<semaphore_mem>>)
      tpu.wait_dma2 semaphore(%run_scoped3A : memref<!tpu.dma_semaphore, #tpu.memory_space<semaphore_mem>>) src(%arg9 : memref<64xf32, #tpu.memory_space<hbm>>) dst(%arg21 : memref<64xf32, #tpu.memory_space<vmem>>)
      tpu.yield
    }) : () -> ()
    "tpu.region"() ({
      %run_scoped3A = tpu.sem_alloc : memref<!tpu.dma_semaphore, #tpu.memory_space<semaphore_mem>>
      tpu.enqueue_dma source(%arg6 : memref<400x64xf32, #tpu.memory_space<hbm>>) target(%arg19 : memref<400x64xf32, #tpu.memory_space<vmem>>) target_semaphore(%run_scoped3A : memref<!tpu.dma_semaphore, #tpu.memory_space<semaphore_mem>>)
      tpu.wait_dma2 semaphore(%run_scoped3A : memref<!tpu.dma_semaphore, #tpu.memory_space<semaphore_mem>>) src(%arg6 : memref<400x64xf32, #tpu.memory_space<hbm>>) dst(%arg19 : memref<400x64xf32, #tpu.memory_space<vmem>>)
      tpu.yield
    }) : () -> ()
    %eq3A = arith.constant 0 : i32
    %eq3A_5 = arith.cmpi eq, %arg1, %eq3A : i32
    %convert_element_type3A = arith.extui %eq3A_5 : i1 to i32
    %cond3A = arith.constant 0 : i32
    %cond3A_6 = arith.cmpi ne, %convert_element_type3A, %cond3A : i32
    scf.if %cond3A_6 {
      "tpu.region"() ({
        %run_scoped3A = tpu.sem_alloc : memref<!tpu.dma_semaphore, #tpu.memory_space<semaphore_mem>>
        tpu.enqueue_dma source(%arg7 : memref<1000x64xf32, #tpu.memory_space<hbm>>) target(%arg24 : memref<1000x64xf32, #tpu.memory_space<vmem_shared>>) target_semaphore(%run_scoped3A : memref<!tpu.dma_semaphore, #tpu.memory_space<semaphore_mem>>)
        tpu.wait_dma2 semaphore(%run_scoped3A : memref<!tpu.dma_semaphore, #tpu.memory_space<semaphore_mem>>) src(%arg7 : memref<1000x64xf32, #tpu.memory_space<hbm>>) dst(%arg24 : memref<1000x64xf32, #tpu.memory_space<vmem_shared>>)
        tpu.yield
      }) : () -> ()
    } else {
    }
    %barrier3A = arith.constant 0 : index
    tpu.barrier barrier_id(%barrier3A)
    %iota3A = tpu.iota {dimensions = array<i32: 0>} : vector<16xi32>
    %add3A_7 = arith.constant 0 : i32
    %add3A_8 = vector.broadcast %add3A_7 : i32 to vector<16xi32>
    %add3A_9 = arith.addi %add3A_8, %iota3A : vector<16xi32>
    %and3A = arith.constant 63 : i32
    %and3A_10 = vector.broadcast %and3A : i32 to vector<16xi32>
    %and3A_11 = arith.andi %add3A_9, %and3A_10 : vector<16xi32>
    %gather3A = tpu.vector_load_idx %arg20[%and3A_11] : memref<64xf32, #tpu.memory_space<vmem>>[vector<16xi32>], vector<16xf32>,
    %swap3A = arith.constant 0 : index
    %swap3A_12 = tpu.vector_load %arg22[%swap3A] {strides = array<i32>} : memref<1024xf32, #tpu.memory_space<vmem>>, vector<16xf32>,
    tpu.vector_store %arg22[%swap3A], %gather3A {strides = array<i32>} : memref<1024xf32, #tpu.memory_space<vmem>>, vector<16xf32>,
    %gather3A_13 = tpu.vector_load_idx %arg21[%and3A_11] : memref<64xf32, #tpu.memory_space<vmem>>[vector<16xi32>], vector<16xf32>,
    %swap3A_14 = arith.constant 0 : index
    %swap3A_15 = tpu.vector_load %arg23[%swap3A_14] {strides = array<i32>} : memref<1024xf32, #tpu.memory_space<vmem>>, vector<16xf32>,
    tpu.vector_store %arg23[%swap3A_14], %gather3A_13 {strides = array<i32>} : memref<1024xf32, #tpu.memory_space<vmem>>, vector<16xf32>,
    %add3A_16 = arith.constant 1 : i32
    %add3A_17 = vector.broadcast %add3A_16 : i32 to vector<16xi32>
    %add3A_18 = arith.addi %add3A_17, %iota3A : vector<16xi32>
    %and3A_19 = arith.constant 63 : i32
    %and3A_20 = vector.broadcast %and3A_19 : i32 to vector<16xi32>
    %and3A_21 = arith.andi %add3A_18, %and3A_20 : vector<16xi32>
    %gather3A_22 = tpu.vector_load_idx %arg20[%and3A_21] : memref<64xf32, #tpu.memory_space<vmem>>[vector<16xi32>], vector<16xf32>,
    %swap3A_23 = arith.constant 16 : index
    %swap3A_24 = tpu.vector_load %arg22[%swap3A_23] {strides = array<i32>} : memref<1024xf32, #tpu.memory_space<vmem>>, vector<16xf32>,
    tpu.vector_store %arg22[%swap3A_23], %gather3A_22 {strides = array<i32>} : memref<1024xf32, #tpu.memory_space<vmem>>, vector<16xf32>,
    %gather3A_25 = tpu.vector_load_idx %arg21[%and3A_21] : memref<64xf32, #tpu.memory_space<vmem>>[vector<16xi32>], vector<16xf32>,
    %swap3A_26 = arith.constant 16 : index
    %swap3A_27 = tpu.vector_load %arg23[%swap3A_26] {strides = array<i32>} : memref<1024xf32, #tpu.memory_space<vmem>>, vector<16xf32>,
    tpu.vector_store %arg23[%swap3A_26], %gather3A_25 {strides = array<i32>} : memref<1024xf32, #tpu.memory_space<vmem>>, vector<16xf32>,
    %add3A_28 = arith.constant 2 : i32
    %add3A_29 = vector.broadcast %add3A_28 : i32 to vector<16xi32>
    %add3A_30 = arith.addi %add3A_29, %iota3A : vector<16xi32>
    %and3A_31 = arith.constant 63 : i32
    %and3A_32 = vector.broadcast %and3A_31 : i32 to vector<16xi32>
    %and3A_33 = arith.andi %add3A_30, %and3A_32 : vector<16xi32>
    %gather3A_34 = tpu.vector_load_idx %arg20[%and3A_33] : memref<64xf32, #tpu.memory_space<vmem>>[vector<16xi32>], vector<16xf32>,
    %swap3A_35 = arith.constant 32 : index
    %swap3A_36 = tpu.vector_load %arg22[%swap3A_35] {strides = array<i32>} : memref<1024xf32, #tpu.memory_space<vmem>>, vector<16xf32>,
    tpu.vector_store %arg22[%swap3A_35], %gather3A_34 {strides = array<i32>} : memref<1024xf32, #tpu.memory_space<vmem>>, vector<16xf32>,
    %gather3A_37 = tpu.vector_load_idx %arg21[%and3A_33] : memref<64xf32, #tpu.memory_space<vmem>>[vector<16xi32>], vector<16xf32>,
    %swap3A_38 = arith.constant 32 : index
    %swap3A_39 = tpu.vector_load %arg23[%swap3A_38] {strides = array<i32>} : memref<1024xf32, #tpu.memory_space<vmem>>, vector<16xf32>,
    tpu.vector_store %arg23[%swap3A_38], %gather3A_37 {strides = array<i32>} : memref<1024xf32, #tpu.memory_space<vmem>>, vector<16xf32>,
    %add3A_40 = arith.constant 3 : i32
    %add3A_41 = vector.broadcast %add3A_40 : i32 to vector<16xi32>
    %add3A_42 = arith.addi %add3A_41, %iota3A : vector<16xi32>
    %and3A_43 = arith.constant 63 : i32
    %and3A_44 = vector.broadcast %and3A_43 : i32 to vector<16xi32>
    %and3A_45 = arith.andi %add3A_42, %and3A_44 : vector<16xi32>
    %gather3A_46 = tpu.vector_load_idx %arg20[%and3A_45] : memref<64xf32, #tpu.memory_space<vmem>>[vector<16xi32>], vector<16xf32>,
    %swap3A_47 = arith.constant 48 : index
    %swap3A_48 = tpu.vector_load %arg22[%swap3A_47] {strides = array<i32>} : memref<1024xf32, #tpu.memory_space<vmem>>, vector<16xf32>,
    tpu.vector_store %arg22[%swap3A_47], %gather3A_46 {strides = array<i32>} : memref<1024xf32, #tpu.memory_space<vmem>>, vector<16xf32>,
    %gather3A_49 = tpu.vector_load_idx %arg21[%and3A_45] : memref<64xf32, #tpu.memory_space<vmem>>[vector<16xi32>], vector<16xf32>,
    %swap3A_50 = arith.constant 48 : index
    %swap3A_51 = tpu.vector_load %arg23[%swap3A_50] {strides = array<i32>} : memref<1024xf32, #tpu.memory_space<vmem>>, vector<16xf32>,
    tpu.vector_store %arg23[%swap3A_50], %gather3A_49 {strides = array<i32>} : memref<1024xf32, #tpu.memory_space<vmem>>, vector<16xf32>,
    %add3A_52 = arith.constant 4 : i32
    %add3A_53 = vector.broadcast %add3A_52 : i32 to vector<16xi32>
    %add3A_54 = arith.addi %add3A_53, %iota3A : vector<16xi32>
    %and3A_55 = arith.constant 63 : i32
    %and3A_56 = vector.broadcast %and3A_55 : i32 to vector<16xi32>
    %and3A_57 = arith.andi %add3A_54, %and3A_56 : vector<16xi32>
    %gather3A_58 = tpu.vector_load_idx %arg20[%and3A_57] : memref<64xf32, #tpu.memory_space<vmem>>[vector<16xi32>], vector<16xf32>,
    %swap3A_59 = arith.constant 64 : index
    %swap3A_60 = tpu.vector_load %arg22[%swap3A_59] {strides = array<i32>} : memref<1024xf32, #tpu.memory_space<vmem>>, vector<16xf32>,
    tpu.vector_store %arg22[%swap3A_59], %gather3A_58 {strides = array<i32>} : memref<1024xf32, #tpu.memory_space<vmem>>, vector<16xf32>,
    %gather3A_61 = tpu.vector_load_idx %arg21[%and3A_57] : memref<64xf32, #tpu.memory_space<vmem>>[vector<16xi32>], vector<16xf32>,
    %swap3A_62 = arith.constant 64 : index
    %swap3A_63 = tpu.vector_load %arg23[%swap3A_62] {strides = array<i32>} : memref<1024xf32, #tpu.memory_space<vmem>>, vector<16xf32>,
    tpu.vector_store %arg23[%swap3A_62], %gather3A_61 {strides = array<i32>} : memref<1024xf32, #tpu.memory_space<vmem>>, vector<16xf32>,
    %add3A_64 = arith.constant 5 : i32
    %add3A_65 = vector.broadcast %add3A_64 : i32 to vector<16xi32>
    %add3A_66 = arith.addi %add3A_65, %iota3A : vector<16xi32>
    %and3A_67 = arith.constant 63 : i32
    %and3A_68 = vector.broadcast %and3A_67 : i32 to vector<16xi32>
    %and3A_69 = arith.andi %add3A_66, %and3A_68 : vector<16xi32>
    %gather3A_70 = tpu.vector_load_idx %arg20[%and3A_69] : memref<64xf32, #tpu.memory_space<vmem>>[vector<16xi32>], vector<16xf32>,
    %swap3A_71 = arith.constant 80 : index
    %swap3A_72 = tpu.vector_load %arg22[%swap3A_71] {strides = array<i32>} : memref<1024xf32, #tpu.memory_space<vmem>>, vector<16xf32>,
    tpu.vector_store %arg22[%swap3A_71], %gather3A_70 {strides = array<i32>} : memref<1024xf32, #tpu.memory_space<vmem>>, vector<16xf32>,
    %gather3A_73 = tpu.vector_load_idx %arg21[%and3A_69] : memref<64xf32, #tpu.memory_space<vmem>>[vector<16xi32>], vector<16xf32>,
    %swap3A_74 = arith.constant 80 : index
    %swap3A_75 = tpu.vector_load %arg23[%swap3A_74] {strides = array<i32>} : memref<1024xf32, #tpu.memory_space<vmem>>, vector<16xf32>,
    tpu.vector_store %arg23[%swap3A_74], %gather3A_73 {strides = array<i32>} : memref<1024xf32, #tpu.memory_space<vmem>>, vector<16xf32>,
    %add3A_76 = arith.constant 6 : i32
    %add3A_77 = vector.broadcast %add3A_76 : i32 to vector<16xi32>
    %add3A_78 = arith.addi %add3A_77, %iota3A : vector<16xi32>
    %and3A_79 = arith.constant 63 : i32
    %and3A_80 = vector.broadcast %and3A_79 : i32 to vector<16xi32>
    %and3A_81 = arith.andi %add3A_78, %and3A_80 : vector<16xi32>
    %gather3A_82 = tpu.vector_load_idx %arg20[%and3A_81] : memref<64xf32, #tpu.memory_space<vmem>>[vector<16xi32>], vector<16xf32>,
    %swap3A_83 = arith.constant 96 : index
    %swap3A_84 = tpu.vector_load %arg22[%swap3A_83] {strides = array<i32>} : memref<1024xf32, #tpu.memory_space<vmem>>, vector<16xf32>,
    tpu.vector_store %arg22[%swap3A_83], %gather3A_82 {strides = array<i32>} : memref<1024xf32, #tpu.memory_space<vmem>>, vector<16xf32>,
    %gather3A_85 = tpu.vector_load_idx %arg21[%and3A_81] : memref<64xf32, #tpu.memory_space<vmem>>[vector<16xi32>], vector<16xf32>,
    %swap3A_86 = arith.constant 96 : index
    %swap3A_87 = tpu.vector_load %arg23[%swap3A_86] {strides = array<i32>} : memref<1024xf32, #tpu.memory_space<vmem>>, vector<16xf32>,
    tpu.vector_store %arg23[%swap3A_86], %gather3A_85 {strides = array<i32>} : memref<1024xf32, #tpu.memory_space<vmem>>, vector<16xf32>,
    %add3A_88 = arith.constant 7 : i32
    %add3A_89 = vector.broadcast %add3A_88 : i32 to vector<16xi32>
    %add3A_90 = arith.addi %add3A_89, %iota3A : vector<16xi32>
    %and3A_91 = arith.constant 63 : i32
    %and3A_92 = vector.broadcast %and3A_91 : i32 to vector<16xi32>
    %and3A_93 = arith.andi %add3A_90, %and3A_92 : vector<16xi32>
    %gather3A_94 = tpu.vector_load_idx %arg20[%and3A_93] : memref<64xf32, #tpu.memory_space<vmem>>[vector<16xi32>], vector<16xf32>,
    %swap3A_95 = arith.constant 112 : index
    %swap3A_96 = tpu.vector_load %arg22[%swap3A_95] {strides = array<i32>} : memref<1024xf32, #tpu.memory_space<vmem>>, vector<16xf32>,
    tpu.vector_store %arg22[%swap3A_95], %gather3A_94 {strides = array<i32>} : memref<1024xf32, #tpu.memory_space<vmem>>, vector<16xf32>,
    %gather3A_97 = tpu.vector_load_idx %arg21[%and3A_93] : memref<64xf32, #tpu.memory_space<vmem>>[vector<16xi32>], vector<16xf32>,
    %swap3A_98 = arith.constant 112 : index
    %swap3A_99 = tpu.vector_load %arg23[%swap3A_98] {strides = array<i32>} : memref<1024xf32, #tpu.memory_space<vmem>>, vector<16xf32>,
    tpu.vector_store %arg23[%swap3A_98], %gather3A_97 {strides = array<i32>} : memref<1024xf32, #tpu.memory_space<vmem>>, vector<16xf32>,
    %add3A_100 = arith.constant 8 : i32
    %add3A_101 = vector.broadcast %add3A_100 : i32 to vector<16xi32>
    %add3A_102 = arith.addi %add3A_101, %iota3A : vector<16xi32>
    %and3A_103 = arith.constant 63 : i32
    %and3A_104 = vector.broadcast %and3A_103 : i32 to vector<16xi32>
    %and3A_105 = arith.andi %add3A_102, %and3A_104 : vector<16xi32>
    %gather3A_106 = tpu.vector_load_idx %arg20[%and3A_105] : memref<64xf32, #tpu.memory_space<vmem>>[vector<16xi32>], vector<16xf32>,
    %swap3A_107 = arith.constant 128 : index
    %swap3A_108 = tpu.vector_load %arg22[%swap3A_107] {strides = array<i32>} : memref<1024xf32, #tpu.memory_space<vmem>>, vector<16xf32>,
    tpu.vector_store %arg22[%swap3A_107], %gather3A_106 {strides = array<i32>} : memref<1024xf32, #tpu.memory_space<vmem>>, vector<16xf32>,
    %gather3A_109 = tpu.vector_load_idx %arg21[%and3A_105] : memref<64xf32, #tpu.memory_space<vmem>>[vector<16xi32>], vector<16xf32>,
    %swap3A_110 = arith.constant 128 : index
    %swap3A_111 = tpu.vector_load %arg23[%swap3A_110] {strides = array<i32>} : memref<1024xf32, #tpu.memory_space<vmem>>, vector<16xf32>,
    tpu.vector_store %arg23[%swap3A_110], %gather3A_109 {strides = array<i32>} : memref<1024xf32, #tpu.memory_space<vmem>>, vector<16xf32>,
    %add3A_112 = arith.constant 9 : i32
    %add3A_113 = vector.broadcast %add3A_112 : i32 to vector<16xi32>
    %add3A_114 = arith.addi %add3A_113, %iota3A : vector<16xi32>
    %and3A_115 = arith.constant 63 : i32
    %and3A_116 = vector.broadcast %and3A_115 : i32 to vector<16xi32>
    %and3A_117 = arith.andi %add3A_114, %and3A_116 : vector<16xi32>
    %gather3A_118 = tpu.vector_load_idx %arg20[%and3A_117] : memref<64xf32, #tpu.memory_space<vmem>>[vector<16xi32>], vector<16xf32>,
    %swap3A_119 = arith.constant 144 : index
    %swap3A_120 = tpu.vector_load %arg22[%swap3A_119] {strides = array<i32>} : memref<1024xf32, #tpu.memory_space<vmem>>, vector<16xf32>,
    tpu.vector_store %arg22[%swap3A_119], %gather3A_118 {strides = array<i32>} : memref<1024xf32, #tpu.memory_space<vmem>>, vector<16xf32>,
    %gather3A_121 = tpu.vector_load_idx %arg21[%and3A_117] : memref<64xf32, #tpu.memory_space<vmem>>[vector<16xi32>], vector<16xf32>,
    %swap3A_122 = arith.constant 144 : index
    %swap3A_123 = tpu.vector_load %arg23[%swap3A_122] {strides = array<i32>} : memref<1024xf32, #tpu.memory_space<vmem>>, vector<16xf32>,
    tpu.vector_store %arg23[%swap3A_122], %gather3A_121 {strides = array<i32>} : memref<1024xf32, #tpu.memory_space<vmem>>, vector<16xf32>,
    %add3A_124 = arith.constant 10 : i32
    %add3A_125 = vector.broadcast %add3A_124 : i32 to vector<16xi32>
    %add3A_126 = arith.addi %add3A_125, %iota3A : vector<16xi32>
    %and3A_127 = arith.constant 63 : i32
    %and3A_128 = vector.broadcast %and3A_127 : i32 to vector<16xi32>
    %and3A_129 = arith.andi %add3A_126, %and3A_128 : vector<16xi32>
    %gather3A_130 = tpu.vector_load_idx %arg20[%and3A_129] : memref<64xf32, #tpu.memory_space<vmem>>[vector<16xi32>], vector<16xf32>,
    %swap3A_131 = arith.constant 160 : index
    %swap3A_132 = tpu.vector_load %arg22[%swap3A_131] {strides = array<i32>} : memref<1024xf32, #tpu.memory_space<vmem>>, vector<16xf32>,
    tpu.vector_store %arg22[%swap3A_131], %gather3A_130 {strides = array<i32>} : memref<1024xf32, #tpu.memory_space<vmem>>, vector<16xf32>,
    %gather3A_133 = tpu.vector_load_idx %arg21[%and3A_129] : memref<64xf32, #tpu.memory_space<vmem>>[vector<16xi32>], vector<16xf32>,
    %swap3A_134 = arith.constant 160 : index
    %swap3A_135 = tpu.vector_load %arg23[%swap3A_134] {strides = array<i32>} : memref<1024xf32, #tpu.memory_space<vmem>>, vector<16xf32>,
    tpu.vector_store %arg23[%swap3A_134], %gather3A_133 {strides = array<i32>} : memref<1024xf32, #tpu.memory_space<vmem>>, vector<16xf32>,
    %add3A_136 = arith.constant 11 : i32
    %add3A_137 = vector.broadcast %add3A_136 : i32 to vector<16xi32>
    %add3A_138 = arith.addi %add3A_137, %iota3A : vector<16xi32>
    %and3A_139 = arith.constant 63 : i32
    %and3A_140 = vector.broadcast %and3A_139 : i32 to vector<16xi32>
    %and3A_141 = arith.andi %add3A_138, %and3A_140 : vector<16xi32>
    %gather3A_142 = tpu.vector_load_idx %arg20[%and3A_141] : memref<64xf32, #tpu.memory_space<vmem>>[vector<16xi32>], vector<16xf32>,
    %swap3A_143 = arith.constant 176 : index
    %swap3A_144 = tpu.vector_load %arg22[%swap3A_143] {strides = array<i32>} : memref<1024xf32, #tpu.memory_space<vmem>>, vector<16xf32>,
    tpu.vector_store %arg22[%swap3A_143], %gather3A_142 {strides = array<i32>} : memref<1024xf32, #tpu.memory_space<vmem>>, vector<16xf32>,
    %gather3A_145 = tpu.vector_load_idx %arg21[%and3A_141] : memref<64xf32, #tpu.memory_space<vmem>>[vector<16xi32>], vector<16xf32>,
    %swap3A_146 = arith.constant 176 : index
    %swap3A_147 = tpu.vector_load %arg23[%swap3A_146] {strides = array<i32>} : memref<1024xf32, #tpu.memory_space<vmem>>, vector<16xf32>,
    tpu.vector_store %arg23[%swap3A_146], %gather3A_145 {strides = array<i32>} : memref<1024xf32, #tpu.memory_space<vmem>>, vector<16xf32>,
    %add3A_148 = arith.constant 12 : i32
    %add3A_149 = vector.broadcast %add3A_148 : i32 to vector<16xi32>
    %add3A_150 = arith.addi %add3A_149, %iota3A : vector<16xi32>
    %and3A_151 = arith.constant 63 : i32
    %and3A_152 = vector.broadcast %and3A_151 : i32 to vector<16xi32>
    %and3A_153 = arith.andi %add3A_150, %and3A_152 : vector<16xi32>
    %gather3A_154 = tpu.vector_load_idx %arg20[%and3A_153] : memref<64xf32, #tpu.memory_space<vmem>>[vector<16xi32>], vector<16xf32>,
    %swap3A_155 = arith.constant 192 : index
    %swap3A_156 = tpu.vector_load %arg22[%swap3A_155] {strides = array<i32>} : memref<1024xf32, #tpu.memory_space<vmem>>, vector<16xf32>,
    tpu.vector_store %arg22[%swap3A_155], %gather3A_154 {strides = array<i32>} : memref<1024xf32, #tpu.memory_space<vmem>>, vector<16xf32>,
    %gather3A_157 = tpu.vector_load_idx %arg21[%and3A_153] : memref<64xf32, #tpu.memory_space<vmem>>[vector<16xi32>], vector<16xf32>,
    %swap3A_158 = arith.constant 192 : index
    %swap3A_159 = tpu.vector_load %arg23[%swap3A_158] {strides = array<i32>} : memref<1024xf32, #tpu.memory_space<vmem>>, vector<16xf32>,
    tpu.vector_store %arg23[%swap3A_158], %gather3A_157 {strides = array<i32>} : memref<1024xf32, #tpu.memory_space<vmem>>, vector<16xf32>,
    %add3A_160 = arith.constant 13 : i32
    %add3A_161 = vector.broadcast %add3A_160 : i32 to vector<16xi32>
    %add3A_162 = arith.addi %add3A_161, %iota3A : vector<16xi32>
    %and3A_163 = arith.constant 63 : i32
    %and3A_164 = vector.broadcast %and3A_163 : i32 to vector<16xi32>
    %and3A_165 = arith.andi %add3A_162, %and3A_164 : vector<16xi32>
    %gather3A_166 = tpu.vector_load_idx %arg20[%and3A_165] : memref<64xf32, #tpu.memory_space<vmem>>[vector<16xi32>], vector<16xf32>,
    %swap3A_167 = arith.constant 208 : index
    %swap3A_168 = tpu.vector_load %arg22[%swap3A_167] {strides = array<i32>} : memref<1024xf32, #tpu.memory_space<vmem>>, vector<16xf32>,
    tpu.vector_store %arg22[%swap3A_167], %gather3A_166 {strides = array<i32>} : memref<1024xf32, #tpu.memory_space<vmem>>, vector<16xf32>,
    %gather3A_169 = tpu.vector_load_idx %arg21[%and3A_165] : memref<64xf32, #tpu.memory_space<vmem>>[vector<16xi32>], vector<16xf32>,
    %swap3A_170 = arith.constant 208 : index
    %swap3A_171 = tpu.vector_load %arg23[%swap3A_170] {strides = array<i32>} : memref<1024xf32, #tpu.memory_space<vmem>>, vector<16xf32>,
    tpu.vector_store %arg23[%swap3A_170], %gather3A_169 {strides = array<i32>} : memref<1024xf32, #tpu.memory_space<vmem>>, vector<16xf32>,
    %add3A_172 = arith.constant 14 : i32
    %add3A_173 = vector.broadcast %add3A_172 : i32 to vector<16xi32>
    %add3A_174 = arith.addi %add3A_173, %iota3A : vector<16xi32>
    %and3A_175 = arith.constant 63 : i32
    %and3A_176 = vector.broadcast %and3A_175 : i32 to vector<16xi32>
    %and3A_177 = arith.andi %add3A_174, %and3A_176 : vector<16xi32>
    %gather3A_178 = tpu.vector_load_idx %arg20[%and3A_177] : memref<64xf32, #tpu.memory_space<vmem>>[vector<16xi32>], vector<16xf32>,
    %swap3A_179 = arith.constant 224 : index
    %swap3A_180 = tpu.vector_load %arg22[%swap3A_179] {strides = array<i32>} : memref<1024xf32, #tpu.memory_space<vmem>>, vector<16xf32>,
    tpu.vector_store %arg22[%swap3A_179], %gather3A_178 {strides = array<i32>} : memref<1024xf32, #tpu.memory_space<vmem>>, vector<16xf32>,
    %gather3A_181 = tpu.vector_load_idx %arg21[%and3A_177] : memref<64xf32, #tpu.memory_space<vmem>>[vector<16xi32>], vector<16xf32>,
    %swap3A_182 = arith.constant 224 : index
    %swap3A_183 = tpu.vector_load %arg23[%swap3A_182] {strides = array<i32>} : memref<1024xf32, #tpu.memory_space<vmem>>, vector<16xf32>,
    tpu.vector_store %arg23[%swap3A_182], %gather3A_181 {strides = array<i32>} : memref<1024xf32, #tpu.memory_space<vmem>>, vector<16xf32>,
    %add3A_184 = arith.constant 15 : i32
    %add3A_185 = vector.broadcast %add3A_184 : i32 to vector<16xi32>
    %add3A_186 = arith.addi %add3A_185, %iota3A : vector<16xi32>
    %and3A_187 = arith.constant 63 : i32
    %and3A_188 = vector.broadcast %and3A_187 : i32 to vector<16xi32>
    %and3A_189 = arith.andi %add3A_186, %and3A_188 : vector<16xi32>
    %gather3A_190 = tpu.vector_load_idx %arg20[%and3A_189] : memref<64xf32, #tpu.memory_space<vmem>>[vector<16xi32>], vector<16xf32>,
    %swap3A_191 = arith.constant 240 : index
    %swap3A_192 = tpu.vector_load %arg22[%swap3A_191] {strides = array<i32>} : memref<1024xf32, #tpu.memory_space<vmem>>, vector<16xf32>,
    tpu.vector_store %arg22[%swap3A_191], %gather3A_190 {strides = array<i32>} : memref<1024xf32, #tpu.memory_space<vmem>>, vector<16xf32>,
    %gather3A_193 = tpu.vector_load_idx %arg21[%and3A_189] : memref<64xf32, #tpu.memory_space<vmem>>[vector<16xi32>], vector<16xf32>,
    %swap3A_194 = arith.constant 240 : index
    %swap3A_195 = tpu.vector_load %arg23[%swap3A_194] {strides = array<i32>} : memref<1024xf32, #tpu.memory_space<vmem>>, vector<16xf32>,
    tpu.vector_store %arg23[%swap3A_194], %gather3A_193 {strides = array<i32>} : memref<1024xf32, #tpu.memory_space<vmem>>, vector<16xf32>,
    %add3A_196 = arith.constant 16 : i32
    %add3A_197 = vector.broadcast %add3A_196 : i32 to vector<16xi32>
    %add3A_198 = arith.addi %add3A_197, %iota3A : vector<16xi32>
    %and3A_199 = arith.constant 63 : i32
    %and3A_200 = vector.broadcast %and3A_199 : i32 to vector<16xi32>
    %and3A_201 = arith.andi %add3A_198, %and3A_200 : vector<16xi32>
    %gather3A_202 = tpu.vector_load_idx %arg20[%and3A_201] : memref<64xf32, #tpu.memory_space<vmem>>[vector<16xi32>], vector<16xf32>,
    %swap3A_203 = arith.constant 256 : index
    %swap3A_204 = tpu.vector_load %arg22[%swap3A_203] {strides = array<i32>} : memref<1024xf32, #tpu.memory_space<vmem>>, vector<16xf32>,
    tpu.vector_store %arg22[%swap3A_203], %gather3A_202 {strides = array<i32>} : memref<1024xf32, #tpu.memory_space<vmem>>, vector<16xf32>,
    %gather3A_205 = tpu.vector_load_idx %arg21[%and3A_201] : memref<64xf32, #tpu.memory_space<vmem>>[vector<16xi32>], vector<16xf32>,
    %swap3A_206 = arith.constant 256 : index
    %swap3A_207 = tpu.vector_load %arg23[%swap3A_206] {strides = array<i32>} : memref<1024xf32, #tpu.memory_space<vmem>>, vector<16xf32>,
    tpu.vector_store %arg23[%swap3A_206], %gather3A_205 {strides = array<i32>} : memref<1024xf32, #tpu.memory_space<vmem>>, vector<16xf32>,
    %add3A_208 = arith.constant 17 : i32
    %add3A_209 = vector.broadcast %add3A_208 : i32 to vector<16xi32>
    %add3A_210 = arith.addi %add3A_209, %iota3A : vector<16xi32>
    %and3A_211 = arith.constant 63 : i32
    %and3A_212 = vector.broadcast %and3A_211 : i32 to vector<16xi32>
    %and3A_213 = arith.andi %add3A_210, %and3A_212 : vector<16xi32>
    %gather3A_214 = tpu.vector_load_idx %arg20[%and3A_213] : memref<64xf32, #tpu.memory_space<vmem>>[vector<16xi32>], vector<16xf32>,
    %swap3A_215 = arith.constant 272 : index
    %swap3A_216 = tpu.vector_load %arg22[%swap3A_215] {strides = array<i32>} : memref<1024xf32, #tpu.memory_space<vmem>>, vector<16xf32>,
    tpu.vector_store %arg22[%swap3A_215], %gather3A_214 {strides = array<i32>} : memref<1024xf32, #tpu.memory_space<vmem>>, vector<16xf32>,
    %gather3A_217 = tpu.vector_load_idx %arg21[%and3A_213] : memref<64xf32, #tpu.memory_space<vmem>>[vector<16xi32>], vector<16xf32>,
    %swap3A_218 = arith.constant 272 : index
    %swap3A_219 = tpu.vector_load %arg23[%swap3A_218] {strides = array<i32>} : memref<1024xf32, #tpu.memory_space<vmem>>, vector<16xf32>,
    tpu.vector_store %arg23[%swap3A_218], %gather3A_217 {strides = array<i32>} : memref<1024xf32, #tpu.memory_space<vmem>>, vector<16xf32>,
    %add3A_220 = arith.constant 18 : i32
    %add3A_221 = vector.broadcast %add3A_220 : i32 to vector<16xi32>
    %add3A_222 = arith.addi %add3A_221, %iota3A : vector<16xi32>
    %and3A_223 = arith.constant 63 : i32
    %and3A_224 = vector.broadcast %and3A_223 : i32 to vector<16xi32>
    %and3A_225 = arith.andi %add3A_222, %and3A_224 : vector<16xi32>
    %gather3A_226 = tpu.vector_load_idx %arg20[%and3A_225] : memref<64xf32, #tpu.memory_space<vmem>>[vector<16xi32>], vector<16xf32>,
    %swap3A_227 = arith.constant 288 : index
    %swap3A_228 = tpu.vector_load %arg22[%swap3A_227] {strides = array<i32>} : memref<1024xf32, #tpu.memory_space<vmem>>, vector<16xf32>,
    tpu.vector_store %arg22[%swap3A_227], %gather3A_226 {strides = array<i32>} : memref<1024xf32, #tpu.memory_space<vmem>>, vector<16xf32>,
    %gather3A_229 = tpu.vector_load_idx %arg21[%and3A_225] : memref<64xf32, #tpu.memory_space<vmem>>[vector<16xi32>], vector<16xf32>,
    %swap3A_230 = arith.constant 288 : index
    %swap3A_231 = tpu.vector_load %arg23[%swap3A_230] {strides = array<i32>} : memref<1024xf32, #tpu.memory_space<vmem>>, vector<16xf32>,
    tpu.vector_store %arg23[%swap3A_230], %gather3A_229 {strides = array<i32>} : memref<1024xf32, #tpu.memory_space<vmem>>, vector<16xf32>,
    %add3A_232 = arith.constant 19 : i32
    %add3A_233 = vector.broadcast %add3A_232 : i32 to vector<16xi32>
    %add3A_234 = arith.addi %add3A_233, %iota3A : vector<16xi32>
    %and3A_235 = arith.constant 63 : i32
    %and3A_236 = vector.broadcast %and3A_235 : i32 to vector<16xi32>
    %and3A_237 = arith.andi %add3A_234, %and3A_236 : vector<16xi32>
    %gather3A_238 = tpu.vector_load_idx %arg20[%and3A_237] : memref<64xf32, #tpu.memory_space<vmem>>[vector<16xi32>], vector<16xf32>,
    %swap3A_239 = arith.constant 304 : index
    %swap3A_240 = tpu.vector_load %arg22[%swap3A_239] {strides = array<i32>} : memref<1024xf32, #tpu.memory_space<vmem>>, vector<16xf32>,
    tpu.vector_store %arg22[%swap3A_239], %gather3A_238 {strides = array<i32>} : memref<1024xf32, #tpu.memory_space<vmem>>, vector<16xf32>,
    %gather3A_241 = tpu.vector_load_idx %arg21[%and3A_237] : memref<64xf32, #tpu.memory_space<vmem>>[vector<16xi32>], vector<16xf32>,
    %swap3A_242 = arith.constant 304 : index
    %swap3A_243 = tpu.vector_load %arg23[%swap3A_242] {strides = array<i32>} : memref<1024xf32, #tpu.memory_space<vmem>>, vector<16xf32>,
    tpu.vector_store %arg23[%swap3A_242], %gather3A_241 {strides = array<i32>} : memref<1024xf32, #tpu.memory_space<vmem>>, vector<16xf32>,
    %add3A_244 = arith.constant 20 : i32
    %add3A_245 = vector.broadcast %add3A_244 : i32 to vector<16xi32>
    %add3A_246 = arith.addi %add3A_245, %iota3A : vector<16xi32>
    %and3A_247 = arith.constant 63 : i32
    %and3A_248 = vector.broadcast %and3A_247 : i32 to vector<16xi32>
    %and3A_249 = arith.andi %add3A_246, %and3A_248 : vector<16xi32>
    %gather3A_250 = tpu.vector_load_idx %arg20[%and3A_249] : memref<64xf32, #tpu.memory_space<vmem>>[vector<16xi32>], vector<16xf32>,
    %swap3A_251 = arith.constant 320 : index
    %swap3A_252 = tpu.vector_load %arg22[%swap3A_251] {strides = array<i32>} : memref<1024xf32, #tpu.memory_space<vmem>>, vector<16xf32>,
    tpu.vector_store %arg22[%swap3A_251], %gather3A_250 {strides = array<i32>} : memref<1024xf32, #tpu.memory_space<vmem>>, vector<16xf32>,
    %gather3A_253 = tpu.vector_load_idx %arg21[%and3A_249] : memref<64xf32, #tpu.memory_space<vmem>>[vector<16xi32>], vector<16xf32>,
    %swap3A_254 = arith.constant 320 : index
    %swap3A_255 = tpu.vector_load %arg23[%swap3A_254] {strides = array<i32>} : memref<1024xf32, #tpu.memory_space<vmem>>, vector<16xf32>,
    tpu.vector_store %arg23[%swap3A_254], %gather3A_253 {strides = array<i32>} : memref<1024xf32, #tpu.memory_space<vmem>>, vector<16xf32>,
    %add3A_256 = arith.constant 21 : i32
    %add3A_257 = vector.broadcast %add3A_256 : i32 to vector<16xi32>
    %add3A_258 = arith.addi %add3A_257, %iota3A : vector<16xi32>
    %and3A_259 = arith.constant 63 : i32
    %and3A_260 = vector.broadcast %and3A_259 : i32 to vector<16xi32>
    %and3A_261 = arith.andi %add3A_258, %and3A_260 : vector<16xi32>
    %gather3A_262 = tpu.vector_load_idx %arg20[%and3A_261] : memref<64xf32, #tpu.memory_space<vmem>>[vector<16xi32>], vector<16xf32>,
    %swap3A_263 = arith.constant 336 : index
    %swap3A_264 = tpu.vector_load %arg22[%swap3A_263] {strides = array<i32>} : memref<1024xf32, #tpu.memory_space<vmem>>, vector<16xf32>,
    tpu.vector_store %arg22[%swap3A_263], %gather3A_262 {strides = array<i32>} : memref<1024xf32, #tpu.memory_space<vmem>>, vector<16xf32>,
    %gather3A_265 = tpu.vector_load_idx %arg21[%and3A_261] : memref<64xf32, #tpu.memory_space<vmem>>[vector<16xi32>], vector<16xf32>,
    %swap3A_266 = arith.constant 336 : index
    %swap3A_267 = tpu.vector_load %arg23[%swap3A_266] {strides = array<i32>} : memref<1024xf32, #tpu.memory_space<vmem>>, vector<16xf32>,
    tpu.vector_store %arg23[%swap3A_266], %gather3A_265 {strides = array<i32>} : memref<1024xf32, #tpu.memory_space<vmem>>, vector<16xf32>,
    %add3A_268 = arith.constant 22 : i32
    %add3A_269 = vector.broadcast %add3A_268 : i32 to vector<16xi32>
    %add3A_270 = arith.addi %add3A_269, %iota3A : vector<16xi32>
    %and3A_271 = arith.constant 63 : i32
    %and3A_272 = vector.broadcast %and3A_271 : i32 to vector<16xi32>
    %and3A_273 = arith.andi %add3A_270, %and3A_272 : vector<16xi32>
    %gather3A_274 = tpu.vector_load_idx %arg20[%and3A_273] : memref<64xf32, #tpu.memory_space<vmem>>[vector<16xi32>], vector<16xf32>,
    %swap3A_275 = arith.constant 352 : index
    %swap3A_276 = tpu.vector_load %arg22[%swap3A_275] {strides = array<i32>} : memref<1024xf32, #tpu.memory_space<vmem>>, vector<16xf32>,
    tpu.vector_store %arg22[%swap3A_275], %gather3A_274 {strides = array<i32>} : memref<1024xf32, #tpu.memory_space<vmem>>, vector<16xf32>,
    %gather3A_277 = tpu.vector_load_idx %arg21[%and3A_273] : memref<64xf32, #tpu.memory_space<vmem>>[vector<16xi32>], vector<16xf32>,
    %swap3A_278 = arith.constant 352 : index
    %swap3A_279 = tpu.vector_load %arg23[%swap3A_278] {strides = array<i32>} : memref<1024xf32, #tpu.memory_space<vmem>>, vector<16xf32>,
    tpu.vector_store %arg23[%swap3A_278], %gather3A_277 {strides = array<i32>} : memref<1024xf32, #tpu.memory_space<vmem>>, vector<16xf32>,
    %add3A_280 = arith.constant 23 : i32
    %add3A_281 = vector.broadcast %add3A_280 : i32 to vector<16xi32>
    %add3A_282 = arith.addi %add3A_281, %iota3A : vector<16xi32>
    %and3A_283 = arith.constant 63 : i32
    %and3A_284 = vector.broadcast %and3A_283 : i32 to vector<16xi32>
    %and3A_285 = arith.andi %add3A_282, %and3A_284 : vector<16xi32>
    %gather3A_286 = tpu.vector_load_idx %arg20[%and3A_285] : memref<64xf32, #tpu.memory_space<vmem>>[vector<16xi32>], vector<16xf32>,
    %swap3A_287 = arith.constant 368 : index
    %swap3A_288 = tpu.vector_load %arg22[%swap3A_287] {strides = array<i32>} : memref<1024xf32, #tpu.memory_space<vmem>>, vector<16xf32>,
    tpu.vector_store %arg22[%swap3A_287], %gather3A_286 {strides = array<i32>} : memref<1024xf32, #tpu.memory_space<vmem>>, vector<16xf32>,
    %gather3A_289 = tpu.vector_load_idx %arg21[%and3A_285] : memref<64xf32, #tpu.memory_space<vmem>>[vector<16xi32>], vector<16xf32>,
    %swap3A_290 = arith.constant 368 : index
    %swap3A_291 = tpu.vector_load %arg23[%swap3A_290] {strides = array<i32>} : memref<1024xf32, #tpu.memory_space<vmem>>, vector<16xf32>,
    tpu.vector_store %arg23[%swap3A_290], %gather3A_289 {strides = array<i32>} : memref<1024xf32, #tpu.memory_space<vmem>>, vector<16xf32>,
    %add3A_292 = arith.constant 24 : i32
    %add3A_293 = vector.broadcast %add3A_292 : i32 to vector<16xi32>
    %add3A_294 = arith.addi %add3A_293, %iota3A : vector<16xi32>
    %and3A_295 = arith.constant 63 : i32
    %and3A_296 = vector.broadcast %and3A_295 : i32 to vector<16xi32>
    %and3A_297 = arith.andi %add3A_294, %and3A_296 : vector<16xi32>
    %gather3A_298 = tpu.vector_load_idx %arg20[%and3A_297] : memref<64xf32, #tpu.memory_space<vmem>>[vector<16xi32>], vector<16xf32>,
    %swap3A_299 = arith.constant 384 : index
    %swap3A_300 = tpu.vector_load %arg22[%swap3A_299] {strides = array<i32>} : memref<1024xf32, #tpu.memory_space<vmem>>, vector<16xf32>,
    tpu.vector_store %arg22[%swap3A_299], %gather3A_298 {strides = array<i32>} : memref<1024xf32, #tpu.memory_space<vmem>>, vector<16xf32>,
    %gather3A_301 = tpu.vector_load_idx %arg21[%and3A_297] : memref<64xf32, #tpu.memory_space<vmem>>[vector<16xi32>], vector<16xf32>,
    %swap3A_302 = arith.constant 384 : index
    %swap3A_303 = tpu.vector_load %arg23[%swap3A_302] {strides = array<i32>} : memref<1024xf32, #tpu.memory_space<vmem>>, vector<16xf32>,
    tpu.vector_store %arg23[%swap3A_302], %gather3A_301 {strides = array<i32>} : memref<1024xf32, #tpu.memory_space<vmem>>, vector<16xf32>,
    %add3A_304 = arith.constant 25 : i32
    %add3A_305 = vector.broadcast %add3A_304 : i32 to vector<16xi32>
    %add3A_306 = arith.addi %add3A_305, %iota3A : vector<16xi32>
    %and3A_307 = arith.constant 63 : i32
    %and3A_308 = vector.broadcast %and3A_307 : i32 to vector<16xi32>
    %and3A_309 = arith.andi %add3A_306, %and3A_308 : vector<16xi32>
    %gather3A_310 = tpu.vector_load_idx %arg20[%and3A_309] : memref<64xf32, #tpu.memory_space<vmem>>[vector<16xi32>], vector<16xf32>,
    %swap3A_311 = arith.constant 400 : index
    %swap3A_312 = tpu.vector_load %arg22[%swap3A_311] {strides = array<i32>} : memref<1024xf32, #tpu.memory_space<vmem>>, vector<16xf32>,
    tpu.vector_store %arg22[%swap3A_311], %gather3A_310 {strides = array<i32>} : memref<1024xf32, #tpu.memory_space<vmem>>, vector<16xf32>,
    %gather3A_313 = tpu.vector_load_idx %arg21[%and3A_309] : memref<64xf32, #tpu.memory_space<vmem>>[vector<16xi32>], vector<16xf32>,
    %swap3A_314 = arith.constant 400 : index
    %swap3A_315 = tpu.vector_load %arg23[%swap3A_314] {strides = array<i32>} : memref<1024xf32, #tpu.memory_space<vmem>>, vector<16xf32>,
    tpu.vector_store %arg23[%swap3A_314], %gather3A_313 {strides = array<i32>} : memref<1024xf32, #tpu.memory_space<vmem>>, vector<16xf32>,
    %add3A_316 = arith.constant 26 : i32
    %add3A_317 = vector.broadcast %add3A_316 : i32 to vector<16xi32>
    %add3A_318 = arith.addi %add3A_317, %iota3A : vector<16xi32>
    %and3A_319 = arith.constant 63 : i32
    %and3A_320 = vector.broadcast %and3A_319 : i32 to vector<16xi32>
    %and3A_321 = arith.andi %add3A_318, %and3A_320 : vector<16xi32>
    %gather3A_322 = tpu.vector_load_idx %arg20[%and3A_321] : memref<64xf32, #tpu.memory_space<vmem>>[vector<16xi32>], vector<16xf32>,
    %swap3A_323 = arith.constant 416 : index
    %swap3A_324 = tpu.vector_load %arg22[%swap3A_323] {strides = array<i32>} : memref<1024xf32, #tpu.memory_space<vmem>>, vector<16xf32>,
    tpu.vector_store %arg22[%swap3A_323], %gather3A_322 {strides = array<i32>} : memref<1024xf32, #tpu.memory_space<vmem>>, vector<16xf32>,
    %gather3A_325 = tpu.vector_load_idx %arg21[%and3A_321] : memref<64xf32, #tpu.memory_space<vmem>>[vector<16xi32>], vector<16xf32>,
    %swap3A_326 = arith.constant 416 : index
    %swap3A_327 = tpu.vector_load %arg23[%swap3A_326] {strides = array<i32>} : memref<1024xf32, #tpu.memory_space<vmem>>, vector<16xf32>,
    tpu.vector_store %arg23[%swap3A_326], %gather3A_325 {strides = array<i32>} : memref<1024xf32, #tpu.memory_space<vmem>>, vector<16xf32>,
    %add3A_328 = arith.constant 27 : i32
    %add3A_329 = vector.broadcast %add3A_328 : i32 to vector<16xi32>
    %add3A_330 = arith.addi %add3A_329, %iota3A : vector<16xi32>
    %and3A_331 = arith.constant 63 : i32
    %and3A_332 = vector.broadcast %and3A_331 : i32 to vector<16xi32>
    %and3A_333 = arith.andi %add3A_330, %and3A_332 : vector<16xi32>
    %gather3A_334 = tpu.vector_load_idx %arg20[%and3A_333] : memref<64xf32, #tpu.memory_space<vmem>>[vector<16xi32>], vector<16xf32>,
    %swap3A_335 = arith.constant 432 : index
    %swap3A_336 = tpu.vector_load %arg22[%swap3A_335] {strides = array<i32>} : memref<1024xf32, #tpu.memory_space<vmem>>, vector<16xf32>,
    tpu.vector_store %arg22[%swap3A_335], %gather3A_334 {strides = array<i32>} : memref<1024xf32, #tpu.memory_space<vmem>>, vector<16xf32>,
    %gather3A_337 = tpu.vector_load_idx %arg21[%and3A_333] : memref<64xf32, #tpu.memory_space<vmem>>[vector<16xi32>], vector<16xf32>,
    %swap3A_338 = arith.constant 432 : index
    %swap3A_339 = tpu.vector_load %arg23[%swap3A_338] {strides = array<i32>} : memref<1024xf32, #tpu.memory_space<vmem>>, vector<16xf32>,
    tpu.vector_store %arg23[%swap3A_338], %gather3A_337 {strides = array<i32>} : memref<1024xf32, #tpu.memory_space<vmem>>, vector<16xf32>,
    %add3A_340 = arith.constant 28 : i32
    %add3A_341 = vector.broadcast %add3A_340 : i32 to vector<16xi32>
    %add3A_342 = arith.addi %add3A_341, %iota3A : vector<16xi32>
    %and3A_343 = arith.constant 63 : i32
    %and3A_344 = vector.broadcast %and3A_343 : i32 to vector<16xi32>
    %and3A_345 = arith.andi %add3A_342, %and3A_344 : vector<16xi32>
    %gather3A_346 = tpu.vector_load_idx %arg20[%and3A_345] : memref<64xf32, #tpu.memory_space<vmem>>[vector<16xi32>], vector<16xf32>,
    %swap3A_347 = arith.constant 448 : index
    %swap3A_348 = tpu.vector_load %arg22[%swap3A_347] {strides = array<i32>} : memref<1024xf32, #tpu.memory_space<vmem>>, vector<16xf32>,
    tpu.vector_store %arg22[%swap3A_347], %gather3A_346 {strides = array<i32>} : memref<1024xf32, #tpu.memory_space<vmem>>, vector<16xf32>,
    %gather3A_349 = tpu.vector_load_idx %arg21[%and3A_345] : memref<64xf32, #tpu.memory_space<vmem>>[vector<16xi32>], vector<16xf32>,
    %swap3A_350 = arith.constant 448 : index
    %swap3A_351 = tpu.vector_load %arg23[%swap3A_350] {strides = array<i32>} : memref<1024xf32, #tpu.memory_space<vmem>>, vector<16xf32>,
    tpu.vector_store %arg23[%swap3A_350], %gather3A_349 {strides = array<i32>} : memref<1024xf32, #tpu.memory_space<vmem>>, vector<16xf32>,
    %add3A_352 = arith.constant 29 : i32
    %add3A_353 = vector.broadcast %add3A_352 : i32 to vector<16xi32>
    %add3A_354 = arith.addi %add3A_353, %iota3A : vector<16xi32>
    %and3A_355 = arith.constant 63 : i32
    %and3A_356 = vector.broadcast %and3A_355 : i32 to vector<16xi32>
    %and3A_357 = arith.andi %add3A_354, %and3A_356 : vector<16xi32>
    %gather3A_358 = tpu.vector_load_idx %arg20[%and3A_357] : memref<64xf32, #tpu.memory_space<vmem>>[vector<16xi32>], vector<16xf32>,
    %swap3A_359 = arith.constant 464 : index
    %swap3A_360 = tpu.vector_load %arg22[%swap3A_359] {strides = array<i32>} : memref<1024xf32, #tpu.memory_space<vmem>>, vector<16xf32>,
    tpu.vector_store %arg22[%swap3A_359], %gather3A_358 {strides = array<i32>} : memref<1024xf32, #tpu.memory_space<vmem>>, vector<16xf32>,
    %gather3A_361 = tpu.vector_load_idx %arg21[%and3A_357] : memref<64xf32, #tpu.memory_space<vmem>>[vector<16xi32>], vector<16xf32>,
    %swap3A_362 = arith.constant 464 : index
    %swap3A_363 = tpu.vector_load %arg23[%swap3A_362] {strides = array<i32>} : memref<1024xf32, #tpu.memory_space<vmem>>, vector<16xf32>,
    tpu.vector_store %arg23[%swap3A_362], %gather3A_361 {strides = array<i32>} : memref<1024xf32, #tpu.memory_space<vmem>>, vector<16xf32>,
    %add3A_364 = arith.constant 30 : i32
    %add3A_365 = vector.broadcast %add3A_364 : i32 to vector<16xi32>
    %add3A_366 = arith.addi %add3A_365, %iota3A : vector<16xi32>
    %and3A_367 = arith.constant 63 : i32
    %and3A_368 = vector.broadcast %and3A_367 : i32 to vector<16xi32>
    %and3A_369 = arith.andi %add3A_366, %and3A_368 : vector<16xi32>
    %gather3A_370 = tpu.vector_load_idx %arg20[%and3A_369] : memref<64xf32, #tpu.memory_space<vmem>>[vector<16xi32>], vector<16xf32>,
    %swap3A_371 = arith.constant 480 : index
    %swap3A_372 = tpu.vector_load %arg22[%swap3A_371] {strides = array<i32>} : memref<1024xf32, #tpu.memory_space<vmem>>, vector<16xf32>,
    tpu.vector_store %arg22[%swap3A_371], %gather3A_370 {strides = array<i32>} : memref<1024xf32, #tpu.memory_space<vmem>>, vector<16xf32>,
    %gather3A_373 = tpu.vector_load_idx %arg21[%and3A_369] : memref<64xf32, #tpu.memory_space<vmem>>[vector<16xi32>], vector<16xf32>,
    %swap3A_374 = arith.constant 480 : index
    %swap3A_375 = tpu.vector_load %arg23[%swap3A_374] {strides = array<i32>} : memref<1024xf32, #tpu.memory_space<vmem>>, vector<16xf32>,
    tpu.vector_store %arg23[%swap3A_374], %gather3A_373 {strides = array<i32>} : memref<1024xf32, #tpu.memory_space<vmem>>, vector<16xf32>,
    %add3A_376 = arith.constant 31 : i32
    %add3A_377 = vector.broadcast %add3A_376 : i32 to vector<16xi32>
    %add3A_378 = arith.addi %add3A_377, %iota3A : vector<16xi32>
    %and3A_379 = arith.constant 63 : i32
    %and3A_380 = vector.broadcast %and3A_379 : i32 to vector<16xi32>
    %and3A_381 = arith.andi %add3A_378, %and3A_380 : vector<16xi32>
    %gather3A_382 = tpu.vector_load_idx %arg20[%and3A_381] : memref<64xf32, #tpu.memory_space<vmem>>[vector<16xi32>], vector<16xf32>,
    %swap3A_383 = arith.constant 496 : index
    %swap3A_384 = tpu.vector_load %arg22[%swap3A_383] {strides = array<i32>} : memref<1024xf32, #tpu.memory_space<vmem>>, vector<16xf32>,
    tpu.vector_store %arg22[%swap3A_383], %gather3A_382 {strides = array<i32>} : memref<1024xf32, #tpu.memory_space<vmem>>, vector<16xf32>,
    %gather3A_385 = tpu.vector_load_idx %arg21[%and3A_381] : memref<64xf32, #tpu.memory_space<vmem>>[vector<16xi32>], vector<16xf32>,
    %swap3A_386 = arith.constant 496 : index
    %swap3A_387 = tpu.vector_load %arg23[%swap3A_386] {strides = array<i32>} : memref<1024xf32, #tpu.memory_space<vmem>>, vector<16xf32>,
    tpu.vector_store %arg23[%swap3A_386], %gather3A_385 {strides = array<i32>} : memref<1024xf32, #tpu.memory_space<vmem>>, vector<16xf32>,
    %add3A_388 = arith.constant 32 : i32
    %add3A_389 = vector.broadcast %add3A_388 : i32 to vector<16xi32>
    %add3A_390 = arith.addi %add3A_389, %iota3A : vector<16xi32>
    %and3A_391 = arith.constant 63 : i32
    %and3A_392 = vector.broadcast %and3A_391 : i32 to vector<16xi32>
    %and3A_393 = arith.andi %add3A_390, %and3A_392 : vector<16xi32>
    %gather3A_394 = tpu.vector_load_idx %arg20[%and3A_393] : memref<64xf32, #tpu.memory_space<vmem>>[vector<16xi32>], vector<16xf32>,
    %swap3A_395 = arith.constant 512 : index
    %swap3A_396 = tpu.vector_load %arg22[%swap3A_395] {strides = array<i32>} : memref<1024xf32, #tpu.memory_space<vmem>>, vector<16xf32>,
    tpu.vector_store %arg22[%swap3A_395], %gather3A_394 {strides = array<i32>} : memref<1024xf32, #tpu.memory_space<vmem>>, vector<16xf32>,
    %gather3A_397 = tpu.vector_load_idx %arg21[%and3A_393] : memref<64xf32, #tpu.memory_space<vmem>>[vector<16xi32>], vector<16xf32>,
    %swap3A_398 = arith.constant 512 : index
    %swap3A_399 = tpu.vector_load %arg23[%swap3A_398] {strides = array<i32>} : memref<1024xf32, #tpu.memory_space<vmem>>, vector<16xf32>,
    tpu.vector_store %arg23[%swap3A_398], %gather3A_397 {strides = array<i32>} : memref<1024xf32, #tpu.memory_space<vmem>>, vector<16xf32>,
    %add3A_400 = arith.constant 33 : i32
    %add3A_401 = vector.broadcast %add3A_400 : i32 to vector<16xi32>
    %add3A_402 = arith.addi %add3A_401, %iota3A : vector<16xi32>
    %and3A_403 = arith.constant 63 : i32
    %and3A_404 = vector.broadcast %and3A_403 : i32 to vector<16xi32>
    %and3A_405 = arith.andi %add3A_402, %and3A_404 : vector<16xi32>
    %gather3A_406 = tpu.vector_load_idx %arg20[%and3A_405] : memref<64xf32, #tpu.memory_space<vmem>>[vector<16xi32>], vector<16xf32>,
    %swap3A_407 = arith.constant 528 : index
    %swap3A_408 = tpu.vector_load %arg22[%swap3A_407] {strides = array<i32>} : memref<1024xf32, #tpu.memory_space<vmem>>, vector<16xf32>,
    tpu.vector_store %arg22[%swap3A_407], %gather3A_406 {strides = array<i32>} : memref<1024xf32, #tpu.memory_space<vmem>>, vector<16xf32>,
    %gather3A_409 = tpu.vector_load_idx %arg21[%and3A_405] : memref<64xf32, #tpu.memory_space<vmem>>[vector<16xi32>], vector<16xf32>,
    %swap3A_410 = arith.constant 528 : index
    %swap3A_411 = tpu.vector_load %arg23[%swap3A_410] {strides = array<i32>} : memref<1024xf32, #tpu.memory_space<vmem>>, vector<16xf32>,
    tpu.vector_store %arg23[%swap3A_410], %gather3A_409 {strides = array<i32>} : memref<1024xf32, #tpu.memory_space<vmem>>, vector<16xf32>,
    %add3A_412 = arith.constant 34 : i32
    %add3A_413 = vector.broadcast %add3A_412 : i32 to vector<16xi32>
    %add3A_414 = arith.addi %add3A_413, %iota3A : vector<16xi32>
    %and3A_415 = arith.constant 63 : i32
    %and3A_416 = vector.broadcast %and3A_415 : i32 to vector<16xi32>
    %and3A_417 = arith.andi %add3A_414, %and3A_416 : vector<16xi32>
    %gather3A_418 = tpu.vector_load_idx %arg20[%and3A_417] : memref<64xf32, #tpu.memory_space<vmem>>[vector<16xi32>], vector<16xf32>,
    %swap3A_419 = arith.constant 544 : index
    %swap3A_420 = tpu.vector_load %arg22[%swap3A_419] {strides = array<i32>} : memref<1024xf32, #tpu.memory_space<vmem>>, vector<16xf32>,
    tpu.vector_store %arg22[%swap3A_419], %gather3A_418 {strides = array<i32>} : memref<1024xf32, #tpu.memory_space<vmem>>, vector<16xf32>,
    %gather3A_421 = tpu.vector_load_idx %arg21[%and3A_417] : memref<64xf32, #tpu.memory_space<vmem>>[vector<16xi32>], vector<16xf32>,
    %swap3A_422 = arith.constant 544 : index
    %swap3A_423 = tpu.vector_load %arg23[%swap3A_422] {strides = array<i32>} : memref<1024xf32, #tpu.memory_space<vmem>>, vector<16xf32>,
    tpu.vector_store %arg23[%swap3A_422], %gather3A_421 {strides = array<i32>} : memref<1024xf32, #tpu.memory_space<vmem>>, vector<16xf32>,
    %add3A_424 = arith.constant 35 : i32
    %add3A_425 = vector.broadcast %add3A_424 : i32 to vector<16xi32>
    %add3A_426 = arith.addi %add3A_425, %iota3A : vector<16xi32>
    %and3A_427 = arith.constant 63 : i32
    %and3A_428 = vector.broadcast %and3A_427 : i32 to vector<16xi32>
    %and3A_429 = arith.andi %add3A_426, %and3A_428 : vector<16xi32>
    %gather3A_430 = tpu.vector_load_idx %arg20[%and3A_429] : memref<64xf32, #tpu.memory_space<vmem>>[vector<16xi32>], vector<16xf32>,
    %swap3A_431 = arith.constant 560 : index
    %swap3A_432 = tpu.vector_load %arg22[%swap3A_431] {strides = array<i32>} : memref<1024xf32, #tpu.memory_space<vmem>>, vector<16xf32>,
    tpu.vector_store %arg22[%swap3A_431], %gather3A_430 {strides = array<i32>} : memref<1024xf32, #tpu.memory_space<vmem>>, vector<16xf32>,
    %gather3A_433 = tpu.vector_load_idx %arg21[%and3A_429] : memref<64xf32, #tpu.memory_space<vmem>>[vector<16xi32>], vector<16xf32>,
    %swap3A_434 = arith.constant 560 : index
    %swap3A_435 = tpu.vector_load %arg23[%swap3A_434] {strides = array<i32>} : memref<1024xf32, #tpu.memory_space<vmem>>, vector<16xf32>,
    tpu.vector_store %arg23[%swap3A_434], %gather3A_433 {strides = array<i32>} : memref<1024xf32, #tpu.memory_space<vmem>>, vector<16xf32>,
    %add3A_436 = arith.constant 36 : i32
    %add3A_437 = vector.broadcast %add3A_436 : i32 to vector<16xi32>
    %add3A_438 = arith.addi %add3A_437, %iota3A : vector<16xi32>
    %and3A_439 = arith.constant 63 : i32
    %and3A_440 = vector.broadcast %and3A_439 : i32 to vector<16xi32>
    %and3A_441 = arith.andi %add3A_438, %and3A_440 : vector<16xi32>
    %gather3A_442 = tpu.vector_load_idx %arg20[%and3A_441] : memref<64xf32, #tpu.memory_space<vmem>>[vector<16xi32>], vector<16xf32>,
    %swap3A_443 = arith.constant 576 : index
    %swap3A_444 = tpu.vector_load %arg22[%swap3A_443] {strides = array<i32>} : memref<1024xf32, #tpu.memory_space<vmem>>, vector<16xf32>,
    tpu.vector_store %arg22[%swap3A_443], %gather3A_442 {strides = array<i32>} : memref<1024xf32, #tpu.memory_space<vmem>>, vector<16xf32>,
    %gather3A_445 = tpu.vector_load_idx %arg21[%and3A_441] : memref<64xf32, #tpu.memory_space<vmem>>[vector<16xi32>], vector<16xf32>,
    %swap3A_446 = arith.constant 576 : index
    %swap3A_447 = tpu.vector_load %arg23[%swap3A_446] {strides = array<i32>} : memref<1024xf32, #tpu.memory_space<vmem>>, vector<16xf32>,
    tpu.vector_store %arg23[%swap3A_446], %gather3A_445 {strides = array<i32>} : memref<1024xf32, #tpu.memory_space<vmem>>, vector<16xf32>,
    %add3A_448 = arith.constant 37 : i32
    %add3A_449 = vector.broadcast %add3A_448 : i32 to vector<16xi32>
    %add3A_450 = arith.addi %add3A_449, %iota3A : vector<16xi32>
    %and3A_451 = arith.constant 63 : i32
    %and3A_452 = vector.broadcast %and3A_451 : i32 to vector<16xi32>
    %and3A_453 = arith.andi %add3A_450, %and3A_452 : vector<16xi32>
    %gather3A_454 = tpu.vector_load_idx %arg20[%and3A_453] : memref<64xf32, #tpu.memory_space<vmem>>[vector<16xi32>], vector<16xf32>,
    %swap3A_455 = arith.constant 592 : index
    %swap3A_456 = tpu.vector_load %arg22[%swap3A_455] {strides = array<i32>} : memref<1024xf32, #tpu.memory_space<vmem>>, vector<16xf32>,
    tpu.vector_store %arg22[%swap3A_455], %gather3A_454 {strides = array<i32>} : memref<1024xf32, #tpu.memory_space<vmem>>, vector<16xf32>,
    %gather3A_457 = tpu.vector_load_idx %arg21[%and3A_453] : memref<64xf32, #tpu.memory_space<vmem>>[vector<16xi32>], vector<16xf32>,
    %swap3A_458 = arith.constant 592 : index
    %swap3A_459 = tpu.vector_load %arg23[%swap3A_458] {strides = array<i32>} : memref<1024xf32, #tpu.memory_space<vmem>>, vector<16xf32>,
    tpu.vector_store %arg23[%swap3A_458], %gather3A_457 {strides = array<i32>} : memref<1024xf32, #tpu.memory_space<vmem>>, vector<16xf32>,
    %add3A_460 = arith.constant 38 : i32
    %add3A_461 = vector.broadcast %add3A_460 : i32 to vector<16xi32>
    %add3A_462 = arith.addi %add3A_461, %iota3A : vector<16xi32>
    %and3A_463 = arith.constant 63 : i32
    %and3A_464 = vector.broadcast %and3A_463 : i32 to vector<16xi32>
    %and3A_465 = arith.andi %add3A_462, %and3A_464 : vector<16xi32>
    %gather3A_466 = tpu.vector_load_idx %arg20[%and3A_465] : memref<64xf32, #tpu.memory_space<vmem>>[vector<16xi32>], vector<16xf32>,
    %swap3A_467 = arith.constant 608 : index
    %swap3A_468 = tpu.vector_load %arg22[%swap3A_467] {strides = array<i32>} : memref<1024xf32, #tpu.memory_space<vmem>>, vector<16xf32>,
    tpu.vector_store %arg22[%swap3A_467], %gather3A_466 {strides = array<i32>} : memref<1024xf32, #tpu.memory_space<vmem>>, vector<16xf32>,
    %gather3A_469 = tpu.vector_load_idx %arg21[%and3A_465] : memref<64xf32, #tpu.memory_space<vmem>>[vector<16xi32>], vector<16xf32>,
    %swap3A_470 = arith.constant 608 : index
    %swap3A_471 = tpu.vector_load %arg23[%swap3A_470] {strides = array<i32>} : memref<1024xf32, #tpu.memory_space<vmem>>, vector<16xf32>,
    tpu.vector_store %arg23[%swap3A_470], %gather3A_469 {strides = array<i32>} : memref<1024xf32, #tpu.memory_space<vmem>>, vector<16xf32>,
    %add3A_472 = arith.constant 39 : i32
    %add3A_473 = vector.broadcast %add3A_472 : i32 to vector<16xi32>
    %add3A_474 = arith.addi %add3A_473, %iota3A : vector<16xi32>
    %and3A_475 = arith.constant 63 : i32
    %and3A_476 = vector.broadcast %and3A_475 : i32 to vector<16xi32>
    %and3A_477 = arith.andi %add3A_474, %and3A_476 : vector<16xi32>
    %gather3A_478 = tpu.vector_load_idx %arg20[%and3A_477] : memref<64xf32, #tpu.memory_space<vmem>>[vector<16xi32>], vector<16xf32>,
    %swap3A_479 = arith.constant 624 : index
    %swap3A_480 = tpu.vector_load %arg22[%swap3A_479] {strides = array<i32>} : memref<1024xf32, #tpu.memory_space<vmem>>, vector<16xf32>,
    tpu.vector_store %arg22[%swap3A_479], %gather3A_478 {strides = array<i32>} : memref<1024xf32, #tpu.memory_space<vmem>>, vector<16xf32>,
    %gather3A_481 = tpu.vector_load_idx %arg21[%and3A_477] : memref<64xf32, #tpu.memory_space<vmem>>[vector<16xi32>], vector<16xf32>,
    %swap3A_482 = arith.constant 624 : index
    %swap3A_483 = tpu.vector_load %arg23[%swap3A_482] {strides = array<i32>} : memref<1024xf32, #tpu.memory_space<vmem>>, vector<16xf32>,
    tpu.vector_store %arg23[%swap3A_482], %gather3A_481 {strides = array<i32>} : memref<1024xf32, #tpu.memory_space<vmem>>, vector<16xf32>,
    %add3A_484 = arith.constant 40 : i32
    %add3A_485 = vector.broadcast %add3A_484 : i32 to vector<16xi32>
    %add3A_486 = arith.addi %add3A_485, %iota3A : vector<16xi32>
    %and3A_487 = arith.constant 63 : i32
    %and3A_488 = vector.broadcast %and3A_487 : i32 to vector<16xi32>
    %and3A_489 = arith.andi %add3A_486, %and3A_488 : vector<16xi32>
    %gather3A_490 = tpu.vector_load_idx %arg20[%and3A_489] : memref<64xf32, #tpu.memory_space<vmem>>[vector<16xi32>], vector<16xf32>,
    %swap3A_491 = arith.constant 640 : index
    %swap3A_492 = tpu.vector_load %arg22[%swap3A_491] {strides = array<i32>} : memref<1024xf32, #tpu.memory_space<vmem>>, vector<16xf32>,
    tpu.vector_store %arg22[%swap3A_491], %gather3A_490 {strides = array<i32>} : memref<1024xf32, #tpu.memory_space<vmem>>, vector<16xf32>,
    %gather3A_493 = tpu.vector_load_idx %arg21[%and3A_489] : memref<64xf32, #tpu.memory_space<vmem>>[vector<16xi32>], vector<16xf32>,
    %swap3A_494 = arith.constant 640 : index
    %swap3A_495 = tpu.vector_load %arg23[%swap3A_494] {strides = array<i32>} : memref<1024xf32, #tpu.memory_space<vmem>>, vector<16xf32>,
    tpu.vector_store %arg23[%swap3A_494], %gather3A_493 {strides = array<i32>} : memref<1024xf32, #tpu.memory_space<vmem>>, vector<16xf32>,
    %add3A_496 = arith.constant 41 : i32
    %add3A_497 = vector.broadcast %add3A_496 : i32 to vector<16xi32>
    %add3A_498 = arith.addi %add3A_497, %iota3A : vector<16xi32>
    %and3A_499 = arith.constant 63 : i32
    %and3A_500 = vector.broadcast %and3A_499 : i32 to vector<16xi32>
    %and3A_501 = arith.andi %add3A_498, %and3A_500 : vector<16xi32>
    %gather3A_502 = tpu.vector_load_idx %arg20[%and3A_501] : memref<64xf32, #tpu.memory_space<vmem>>[vector<16xi32>], vector<16xf32>,
    %swap3A_503 = arith.constant 656 : index
    %swap3A_504 = tpu.vector_load %arg22[%swap3A_503] {strides = array<i32>} : memref<1024xf32, #tpu.memory_space<vmem>>, vector<16xf32>,
    tpu.vector_store %arg22[%swap3A_503], %gather3A_502 {strides = array<i32>} : memref<1024xf32, #tpu.memory_space<vmem>>, vector<16xf32>,
    %gather3A_505 = tpu.vector_load_idx %arg21[%and3A_501] : memref<64xf32, #tpu.memory_space<vmem>>[vector<16xi32>], vector<16xf32>,
    %swap3A_506 = arith.constant 656 : index
    %swap3A_507 = tpu.vector_load %arg23[%swap3A_506] {strides = array<i32>} : memref<1024xf32, #tpu.memory_space<vmem>>, vector<16xf32>,
    tpu.vector_store %arg23[%swap3A_506], %gather3A_505 {strides = array<i32>} : memref<1024xf32, #tpu.memory_space<vmem>>, vector<16xf32>,
    %add3A_508 = arith.constant 42 : i32
    %add3A_509 = vector.broadcast %add3A_508 : i32 to vector<16xi32>
    %add3A_510 = arith.addi %add3A_509, %iota3A : vector<16xi32>
    %and3A_511 = arith.constant 63 : i32
    %and3A_512 = vector.broadcast %and3A_511 : i32 to vector<16xi32>
    %and3A_513 = arith.andi %add3A_510, %and3A_512 : vector<16xi32>
    %gather3A_514 = tpu.vector_load_idx %arg20[%and3A_513] : memref<64xf32, #tpu.memory_space<vmem>>[vector<16xi32>], vector<16xf32>,
    %swap3A_515 = arith.constant 672 : index
    %swap3A_516 = tpu.vector_load %arg22[%swap3A_515] {strides = array<i32>} : memref<1024xf32, #tpu.memory_space<vmem>>, vector<16xf32>,
    tpu.vector_store %arg22[%swap3A_515], %gather3A_514 {strides = array<i32>} : memref<1024xf32, #tpu.memory_space<vmem>>, vector<16xf32>,
    %gather3A_517 = tpu.vector_load_idx %arg21[%and3A_513] : memref<64xf32, #tpu.memory_space<vmem>>[vector<16xi32>], vector<16xf32>,
    %swap3A_518 = arith.constant 672 : index
    %swap3A_519 = tpu.vector_load %arg23[%swap3A_518] {strides = array<i32>} : memref<1024xf32, #tpu.memory_space<vmem>>, vector<16xf32>,
    tpu.vector_store %arg23[%swap3A_518], %gather3A_517 {strides = array<i32>} : memref<1024xf32, #tpu.memory_space<vmem>>, vector<16xf32>,
    %add3A_520 = arith.constant 43 : i32
    %add3A_521 = vector.broadcast %add3A_520 : i32 to vector<16xi32>
    %add3A_522 = arith.addi %add3A_521, %iota3A : vector<16xi32>
    %and3A_523 = arith.constant 63 : i32
    %and3A_524 = vector.broadcast %and3A_523 : i32 to vector<16xi32>
    %and3A_525 = arith.andi %add3A_522, %and3A_524 : vector<16xi32>
    %gather3A_526 = tpu.vector_load_idx %arg20[%and3A_525] : memref<64xf32, #tpu.memory_space<vmem>>[vector<16xi32>], vector<16xf32>,
    %swap3A_527 = arith.constant 688 : index
    %swap3A_528 = tpu.vector_load %arg22[%swap3A_527] {strides = array<i32>} : memref<1024xf32, #tpu.memory_space<vmem>>, vector<16xf32>,
    tpu.vector_store %arg22[%swap3A_527], %gather3A_526 {strides = array<i32>} : memref<1024xf32, #tpu.memory_space<vmem>>, vector<16xf32>,
    %gather3A_529 = tpu.vector_load_idx %arg21[%and3A_525] : memref<64xf32, #tpu.memory_space<vmem>>[vector<16xi32>], vector<16xf32>,
    %swap3A_530 = arith.constant 688 : index
    %swap3A_531 = tpu.vector_load %arg23[%swap3A_530] {strides = array<i32>} : memref<1024xf32, #tpu.memory_space<vmem>>, vector<16xf32>,
    tpu.vector_store %arg23[%swap3A_530], %gather3A_529 {strides = array<i32>} : memref<1024xf32, #tpu.memory_space<vmem>>, vector<16xf32>,
    %add3A_532 = arith.constant 44 : i32
    %add3A_533 = vector.broadcast %add3A_532 : i32 to vector<16xi32>
    %add3A_534 = arith.addi %add3A_533, %iota3A : vector<16xi32>
    %and3A_535 = arith.constant 63 : i32
    %and3A_536 = vector.broadcast %and3A_535 : i32 to vector<16xi32>
    %and3A_537 = arith.andi %add3A_534, %and3A_536 : vector<16xi32>
    %gather3A_538 = tpu.vector_load_idx %arg20[%and3A_537] : memref<64xf32, #tpu.memory_space<vmem>>[vector<16xi32>], vector<16xf32>,
    %swap3A_539 = arith.constant 704 : index
    %swap3A_540 = tpu.vector_load %arg22[%swap3A_539] {strides = array<i32>} : memref<1024xf32, #tpu.memory_space<vmem>>, vector<16xf32>,
    tpu.vector_store %arg22[%swap3A_539], %gather3A_538 {strides = array<i32>} : memref<1024xf32, #tpu.memory_space<vmem>>, vector<16xf32>,
    %gather3A_541 = tpu.vector_load_idx %arg21[%and3A_537] : memref<64xf32, #tpu.memory_space<vmem>>[vector<16xi32>], vector<16xf32>,
    %swap3A_542 = arith.constant 704 : index
    %swap3A_543 = tpu.vector_load %arg23[%swap3A_542] {strides = array<i32>} : memref<1024xf32, #tpu.memory_space<vmem>>, vector<16xf32>,
    tpu.vector_store %arg23[%swap3A_542], %gather3A_541 {strides = array<i32>} : memref<1024xf32, #tpu.memory_space<vmem>>, vector<16xf32>,
    %add3A_544 = arith.constant 45 : i32
    %add3A_545 = vector.broadcast %add3A_544 : i32 to vector<16xi32>
    %add3A_546 = arith.addi %add3A_545, %iota3A : vector<16xi32>
    %and3A_547 = arith.constant 63 : i32
    %and3A_548 = vector.broadcast %and3A_547 : i32 to vector<16xi32>
    %and3A_549 = arith.andi %add3A_546, %and3A_548 : vector<16xi32>
    %gather3A_550 = tpu.vector_load_idx %arg20[%and3A_549] : memref<64xf32, #tpu.memory_space<vmem>>[vector<16xi32>], vector<16xf32>,
    %swap3A_551 = arith.constant 720 : index
    %swap3A_552 = tpu.vector_load %arg22[%swap3A_551] {strides = array<i32>} : memref<1024xf32, #tpu.memory_space<vmem>>, vector<16xf32>,
    tpu.vector_store %arg22[%swap3A_551], %gather3A_550 {strides = array<i32>} : memref<1024xf32, #tpu.memory_space<vmem>>, vector<16xf32>,
    %gather3A_553 = tpu.vector_load_idx %arg21[%and3A_549] : memref<64xf32, #tpu.memory_space<vmem>>[vector<16xi32>], vector<16xf32>,
    %swap3A_554 = arith.constant 720 : index
    %swap3A_555 = tpu.vector_load %arg23[%swap3A_554] {strides = array<i32>} : memref<1024xf32, #tpu.memory_space<vmem>>, vector<16xf32>,
    tpu.vector_store %arg23[%swap3A_554], %gather3A_553 {strides = array<i32>} : memref<1024xf32, #tpu.memory_space<vmem>>, vector<16xf32>,
    %add3A_556 = arith.constant 46 : i32
    %add3A_557 = vector.broadcast %add3A_556 : i32 to vector<16xi32>
    %add3A_558 = arith.addi %add3A_557, %iota3A : vector<16xi32>
    %and3A_559 = arith.constant 63 : i32
    %and3A_560 = vector.broadcast %and3A_559 : i32 to vector<16xi32>
    %and3A_561 = arith.andi %add3A_558, %and3A_560 : vector<16xi32>
    %gather3A_562 = tpu.vector_load_idx %arg20[%and3A_561] : memref<64xf32, #tpu.memory_space<vmem>>[vector<16xi32>], vector<16xf32>,
    %swap3A_563 = arith.constant 736 : index
    %swap3A_564 = tpu.vector_load %arg22[%swap3A_563] {strides = array<i32>} : memref<1024xf32, #tpu.memory_space<vmem>>, vector<16xf32>,
    tpu.vector_store %arg22[%swap3A_563], %gather3A_562 {strides = array<i32>} : memref<1024xf32, #tpu.memory_space<vmem>>, vector<16xf32>,
    %gather3A_565 = tpu.vector_load_idx %arg21[%and3A_561] : memref<64xf32, #tpu.memory_space<vmem>>[vector<16xi32>], vector<16xf32>,
    %swap3A_566 = arith.constant 736 : index
    %swap3A_567 = tpu.vector_load %arg23[%swap3A_566] {strides = array<i32>} : memref<1024xf32, #tpu.memory_space<vmem>>, vector<16xf32>,
    tpu.vector_store %arg23[%swap3A_566], %gather3A_565 {strides = array<i32>} : memref<1024xf32, #tpu.memory_space<vmem>>, vector<16xf32>,
    %add3A_568 = arith.constant 47 : i32
    %add3A_569 = vector.broadcast %add3A_568 : i32 to vector<16xi32>
    %add3A_570 = arith.addi %add3A_569, %iota3A : vector<16xi32>
    %and3A_571 = arith.constant 63 : i32
    %and3A_572 = vector.broadcast %and3A_571 : i32 to vector<16xi32>
    %and3A_573 = arith.andi %add3A_570, %and3A_572 : vector<16xi32>
    %gather3A_574 = tpu.vector_load_idx %arg20[%and3A_573] : memref<64xf32, #tpu.memory_space<vmem>>[vector<16xi32>], vector<16xf32>,
    %swap3A_575 = arith.constant 752 : index
    %swap3A_576 = tpu.vector_load %arg22[%swap3A_575] {strides = array<i32>} : memref<1024xf32, #tpu.memory_space<vmem>>, vector<16xf32>,
    tpu.vector_store %arg22[%swap3A_575], %gather3A_574 {strides = array<i32>} : memref<1024xf32, #tpu.memory_space<vmem>>, vector<16xf32>,
    %gather3A_577 = tpu.vector_load_idx %arg21[%and3A_573] : memref<64xf32, #tpu.memory_space<vmem>>[vector<16xi32>], vector<16xf32>,
    %swap3A_578 = arith.constant 752 : index
    %swap3A_579 = tpu.vector_load %arg23[%swap3A_578] {strides = array<i32>} : memref<1024xf32, #tpu.memory_space<vmem>>, vector<16xf32>,
    tpu.vector_store %arg23[%swap3A_578], %gather3A_577 {strides = array<i32>} : memref<1024xf32, #tpu.memory_space<vmem>>, vector<16xf32>,
    %add3A_580 = arith.constant 48 : i32
    %add3A_581 = vector.broadcast %add3A_580 : i32 to vector<16xi32>
    %add3A_582 = arith.addi %add3A_581, %iota3A : vector<16xi32>
    %and3A_583 = arith.constant 63 : i32
    %and3A_584 = vector.broadcast %and3A_583 : i32 to vector<16xi32>
    %and3A_585 = arith.andi %add3A_582, %and3A_584 : vector<16xi32>
    %gather3A_586 = tpu.vector_load_idx %arg20[%and3A_585] : memref<64xf32, #tpu.memory_space<vmem>>[vector<16xi32>], vector<16xf32>,
    %swap3A_587 = arith.constant 768 : index
    %swap3A_588 = tpu.vector_load %arg22[%swap3A_587] {strides = array<i32>} : memref<1024xf32, #tpu.memory_space<vmem>>, vector<16xf32>,
    tpu.vector_store %arg22[%swap3A_587], %gather3A_586 {strides = array<i32>} : memref<1024xf32, #tpu.memory_space<vmem>>, vector<16xf32>,
    %gather3A_589 = tpu.vector_load_idx %arg21[%and3A_585] : memref<64xf32, #tpu.memory_space<vmem>>[vector<16xi32>], vector<16xf32>,
    %swap3A_590 = arith.constant 768 : index
    %swap3A_591 = tpu.vector_load %arg23[%swap3A_590] {strides = array<i32>} : memref<1024xf32, #tpu.memory_space<vmem>>, vector<16xf32>,
    tpu.vector_store %arg23[%swap3A_590], %gather3A_589 {strides = array<i32>} : memref<1024xf32, #tpu.memory_space<vmem>>, vector<16xf32>,
    %add3A_592 = arith.constant 49 : i32
    %add3A_593 = vector.broadcast %add3A_592 : i32 to vector<16xi32>
    %add3A_594 = arith.addi %add3A_593, %iota3A : vector<16xi32>
    %and3A_595 = arith.constant 63 : i32
    %and3A_596 = vector.broadcast %and3A_595 : i32 to vector<16xi32>
    %and3A_597 = arith.andi %add3A_594, %and3A_596 : vector<16xi32>
    %gather3A_598 = tpu.vector_load_idx %arg20[%and3A_597] : memref<64xf32, #tpu.memory_space<vmem>>[vector<16xi32>], vector<16xf32>,
    %swap3A_599 = arith.constant 784 : index
    %swap3A_600 = tpu.vector_load %arg22[%swap3A_599] {strides = array<i32>} : memref<1024xf32, #tpu.memory_space<vmem>>, vector<16xf32>,
    tpu.vector_store %arg22[%swap3A_599], %gather3A_598 {strides = array<i32>} : memref<1024xf32, #tpu.memory_space<vmem>>, vector<16xf32>,
    %gather3A_601 = tpu.vector_load_idx %arg21[%and3A_597] : memref<64xf32, #tpu.memory_space<vmem>>[vector<16xi32>], vector<16xf32>,
    %swap3A_602 = arith.constant 784 : index
    %swap3A_603 = tpu.vector_load %arg23[%swap3A_602] {strides = array<i32>} : memref<1024xf32, #tpu.memory_space<vmem>>, vector<16xf32>,
    tpu.vector_store %arg23[%swap3A_602], %gather3A_601 {strides = array<i32>} : memref<1024xf32, #tpu.memory_space<vmem>>, vector<16xf32>,
    %add3A_604 = arith.constant 50 : i32
    %add3A_605 = vector.broadcast %add3A_604 : i32 to vector<16xi32>
    %add3A_606 = arith.addi %add3A_605, %iota3A : vector<16xi32>
    %and3A_607 = arith.constant 63 : i32
    %and3A_608 = vector.broadcast %and3A_607 : i32 to vector<16xi32>
    %and3A_609 = arith.andi %add3A_606, %and3A_608 : vector<16xi32>
    %gather3A_610 = tpu.vector_load_idx %arg20[%and3A_609] : memref<64xf32, #tpu.memory_space<vmem>>[vector<16xi32>], vector<16xf32>,
    %swap3A_611 = arith.constant 800 : index
    %swap3A_612 = tpu.vector_load %arg22[%swap3A_611] {strides = array<i32>} : memref<1024xf32, #tpu.memory_space<vmem>>, vector<16xf32>,
    tpu.vector_store %arg22[%swap3A_611], %gather3A_610 {strides = array<i32>} : memref<1024xf32, #tpu.memory_space<vmem>>, vector<16xf32>,
    %gather3A_613 = tpu.vector_load_idx %arg21[%and3A_609] : memref<64xf32, #tpu.memory_space<vmem>>[vector<16xi32>], vector<16xf32>,
    %swap3A_614 = arith.constant 800 : index
    %swap3A_615 = tpu.vector_load %arg23[%swap3A_614] {strides = array<i32>} : memref<1024xf32, #tpu.memory_space<vmem>>, vector<16xf32>,
    tpu.vector_store %arg23[%swap3A_614], %gather3A_613 {strides = array<i32>} : memref<1024xf32, #tpu.memory_space<vmem>>, vector<16xf32>,
    %add3A_616 = arith.constant 51 : i32
    %add3A_617 = vector.broadcast %add3A_616 : i32 to vector<16xi32>
    %add3A_618 = arith.addi %add3A_617, %iota3A : vector<16xi32>
    %and3A_619 = arith.constant 63 : i32
    %and3A_620 = vector.broadcast %and3A_619 : i32 to vector<16xi32>
    %and3A_621 = arith.andi %add3A_618, %and3A_620 : vector<16xi32>
    %gather3A_622 = tpu.vector_load_idx %arg20[%and3A_621] : memref<64xf32, #tpu.memory_space<vmem>>[vector<16xi32>], vector<16xf32>,
    %swap3A_623 = arith.constant 816 : index
    %swap3A_624 = tpu.vector_load %arg22[%swap3A_623] {strides = array<i32>} : memref<1024xf32, #tpu.memory_space<vmem>>, vector<16xf32>,
    tpu.vector_store %arg22[%swap3A_623], %gather3A_622 {strides = array<i32>} : memref<1024xf32, #tpu.memory_space<vmem>>, vector<16xf32>,
    %gather3A_625 = tpu.vector_load_idx %arg21[%and3A_621] : memref<64xf32, #tpu.memory_space<vmem>>[vector<16xi32>], vector<16xf32>,
    %swap3A_626 = arith.constant 816 : index
    %swap3A_627 = tpu.vector_load %arg23[%swap3A_626] {strides = array<i32>} : memref<1024xf32, #tpu.memory_space<vmem>>, vector<16xf32>,
    tpu.vector_store %arg23[%swap3A_626], %gather3A_625 {strides = array<i32>} : memref<1024xf32, #tpu.memory_space<vmem>>, vector<16xf32>,
    %add3A_628 = arith.constant 52 : i32
    %add3A_629 = vector.broadcast %add3A_628 : i32 to vector<16xi32>
    %add3A_630 = arith.addi %add3A_629, %iota3A : vector<16xi32>
    %and3A_631 = arith.constant 63 : i32
    %and3A_632 = vector.broadcast %and3A_631 : i32 to vector<16xi32>
    %and3A_633 = arith.andi %add3A_630, %and3A_632 : vector<16xi32>
    %gather3A_634 = tpu.vector_load_idx %arg20[%and3A_633] : memref<64xf32, #tpu.memory_space<vmem>>[vector<16xi32>], vector<16xf32>,
    %swap3A_635 = arith.constant 832 : index
    %swap3A_636 = tpu.vector_load %arg22[%swap3A_635] {strides = array<i32>} : memref<1024xf32, #tpu.memory_space<vmem>>, vector<16xf32>,
    tpu.vector_store %arg22[%swap3A_635], %gather3A_634 {strides = array<i32>} : memref<1024xf32, #tpu.memory_space<vmem>>, vector<16xf32>,
    %gather3A_637 = tpu.vector_load_idx %arg21[%and3A_633] : memref<64xf32, #tpu.memory_space<vmem>>[vector<16xi32>], vector<16xf32>,
    %swap3A_638 = arith.constant 832 : index
    %swap3A_639 = tpu.vector_load %arg23[%swap3A_638] {strides = array<i32>} : memref<1024xf32, #tpu.memory_space<vmem>>, vector<16xf32>,
    tpu.vector_store %arg23[%swap3A_638], %gather3A_637 {strides = array<i32>} : memref<1024xf32, #tpu.memory_space<vmem>>, vector<16xf32>,
    %add3A_640 = arith.constant 53 : i32
    %add3A_641 = vector.broadcast %add3A_640 : i32 to vector<16xi32>
    %add3A_642 = arith.addi %add3A_641, %iota3A : vector<16xi32>
    %and3A_643 = arith.constant 63 : i32
    %and3A_644 = vector.broadcast %and3A_643 : i32 to vector<16xi32>
    %and3A_645 = arith.andi %add3A_642, %and3A_644 : vector<16xi32>
    %gather3A_646 = tpu.vector_load_idx %arg20[%and3A_645] : memref<64xf32, #tpu.memory_space<vmem>>[vector<16xi32>], vector<16xf32>,
    %swap3A_647 = arith.constant 848 : index
    %swap3A_648 = tpu.vector_load %arg22[%swap3A_647] {strides = array<i32>} : memref<1024xf32, #tpu.memory_space<vmem>>, vector<16xf32>,
    tpu.vector_store %arg22[%swap3A_647], %gather3A_646 {strides = array<i32>} : memref<1024xf32, #tpu.memory_space<vmem>>, vector<16xf32>,
    %gather3A_649 = tpu.vector_load_idx %arg21[%and3A_645] : memref<64xf32, #tpu.memory_space<vmem>>[vector<16xi32>], vector<16xf32>,
    %swap3A_650 = arith.constant 848 : index
    %swap3A_651 = tpu.vector_load %arg23[%swap3A_650] {strides = array<i32>} : memref<1024xf32, #tpu.memory_space<vmem>>, vector<16xf32>,
    tpu.vector_store %arg23[%swap3A_650], %gather3A_649 {strides = array<i32>} : memref<1024xf32, #tpu.memory_space<vmem>>, vector<16xf32>,
    %add3A_652 = arith.constant 54 : i32
    %add3A_653 = vector.broadcast %add3A_652 : i32 to vector<16xi32>
    %add3A_654 = arith.addi %add3A_653, %iota3A : vector<16xi32>
    %and3A_655 = arith.constant 63 : i32
    %and3A_656 = vector.broadcast %and3A_655 : i32 to vector<16xi32>
    %and3A_657 = arith.andi %add3A_654, %and3A_656 : vector<16xi32>
    %gather3A_658 = tpu.vector_load_idx %arg20[%and3A_657] : memref<64xf32, #tpu.memory_space<vmem>>[vector<16xi32>], vector<16xf32>,
    %swap3A_659 = arith.constant 864 : index
    %swap3A_660 = tpu.vector_load %arg22[%swap3A_659] {strides = array<i32>} : memref<1024xf32, #tpu.memory_space<vmem>>, vector<16xf32>,
    tpu.vector_store %arg22[%swap3A_659], %gather3A_658 {strides = array<i32>} : memref<1024xf32, #tpu.memory_space<vmem>>, vector<16xf32>,
    %gather3A_661 = tpu.vector_load_idx %arg21[%and3A_657] : memref<64xf32, #tpu.memory_space<vmem>>[vector<16xi32>], vector<16xf32>,
    %swap3A_662 = arith.constant 864 : index
    %swap3A_663 = tpu.vector_load %arg23[%swap3A_662] {strides = array<i32>} : memref<1024xf32, #tpu.memory_space<vmem>>, vector<16xf32>,
    tpu.vector_store %arg23[%swap3A_662], %gather3A_661 {strides = array<i32>} : memref<1024xf32, #tpu.memory_space<vmem>>, vector<16xf32>,
    %add3A_664 = arith.constant 55 : i32
    %add3A_665 = vector.broadcast %add3A_664 : i32 to vector<16xi32>
    %add3A_666 = arith.addi %add3A_665, %iota3A : vector<16xi32>
    %and3A_667 = arith.constant 63 : i32
    %and3A_668 = vector.broadcast %and3A_667 : i32 to vector<16xi32>
    %and3A_669 = arith.andi %add3A_666, %and3A_668 : vector<16xi32>
    %gather3A_670 = tpu.vector_load_idx %arg20[%and3A_669] : memref<64xf32, #tpu.memory_space<vmem>>[vector<16xi32>], vector<16xf32>,
    %swap3A_671 = arith.constant 880 : index
    %swap3A_672 = tpu.vector_load %arg22[%swap3A_671] {strides = array<i32>} : memref<1024xf32, #tpu.memory_space<vmem>>, vector<16xf32>,
    tpu.vector_store %arg22[%swap3A_671], %gather3A_670 {strides = array<i32>} : memref<1024xf32, #tpu.memory_space<vmem>>, vector<16xf32>,
    %gather3A_673 = tpu.vector_load_idx %arg21[%and3A_669] : memref<64xf32, #tpu.memory_space<vmem>>[vector<16xi32>], vector<16xf32>,
    %swap3A_674 = arith.constant 880 : index
    %swap3A_675 = tpu.vector_load %arg23[%swap3A_674] {strides = array<i32>} : memref<1024xf32, #tpu.memory_space<vmem>>, vector<16xf32>,
    tpu.vector_store %arg23[%swap3A_674], %gather3A_673 {strides = array<i32>} : memref<1024xf32, #tpu.memory_space<vmem>>, vector<16xf32>,
    %add3A_676 = arith.constant 56 : i32
    %add3A_677 = vector.broadcast %add3A_676 : i32 to vector<16xi32>
    %add3A_678 = arith.addi %add3A_677, %iota3A : vector<16xi32>
    %and3A_679 = arith.constant 63 : i32
    %and3A_680 = vector.broadcast %and3A_679 : i32 to vector<16xi32>
    %and3A_681 = arith.andi %add3A_678, %and3A_680 : vector<16xi32>
    %gather3A_682 = tpu.vector_load_idx %arg20[%and3A_681] : memref<64xf32, #tpu.memory_space<vmem>>[vector<16xi32>], vector<16xf32>,
    %swap3A_683 = arith.constant 896 : index
    %swap3A_684 = tpu.vector_load %arg22[%swap3A_683] {strides = array<i32>} : memref<1024xf32, #tpu.memory_space<vmem>>, vector<16xf32>,
    tpu.vector_store %arg22[%swap3A_683], %gather3A_682 {strides = array<i32>} : memref<1024xf32, #tpu.memory_space<vmem>>, vector<16xf32>,
    %gather3A_685 = tpu.vector_load_idx %arg21[%and3A_681] : memref<64xf32, #tpu.memory_space<vmem>>[vector<16xi32>], vector<16xf32>,
    %swap3A_686 = arith.constant 896 : index
    %swap3A_687 = tpu.vector_load %arg23[%swap3A_686] {strides = array<i32>} : memref<1024xf32, #tpu.memory_space<vmem>>, vector<16xf32>,
    tpu.vector_store %arg23[%swap3A_686], %gather3A_685 {strides = array<i32>} : memref<1024xf32, #tpu.memory_space<vmem>>, vector<16xf32>,
    %add3A_688 = arith.constant 57 : i32
    %add3A_689 = vector.broadcast %add3A_688 : i32 to vector<16xi32>
    %add3A_690 = arith.addi %add3A_689, %iota3A : vector<16xi32>
    %and3A_691 = arith.constant 63 : i32
    %and3A_692 = vector.broadcast %and3A_691 : i32 to vector<16xi32>
    %and3A_693 = arith.andi %add3A_690, %and3A_692 : vector<16xi32>
    %gather3A_694 = tpu.vector_load_idx %arg20[%and3A_693] : memref<64xf32, #tpu.memory_space<vmem>>[vector<16xi32>], vector<16xf32>,
    %swap3A_695 = arith.constant 912 : index
    %swap3A_696 = tpu.vector_load %arg22[%swap3A_695] {strides = array<i32>} : memref<1024xf32, #tpu.memory_space<vmem>>, vector<16xf32>,
    tpu.vector_store %arg22[%swap3A_695], %gather3A_694 {strides = array<i32>} : memref<1024xf32, #tpu.memory_space<vmem>>, vector<16xf32>,
    %gather3A_697 = tpu.vector_load_idx %arg21[%and3A_693] : memref<64xf32, #tpu.memory_space<vmem>>[vector<16xi32>], vector<16xf32>,
    %swap3A_698 = arith.constant 912 : index
    %swap3A_699 = tpu.vector_load %arg23[%swap3A_698] {strides = array<i32>} : memref<1024xf32, #tpu.memory_space<vmem>>, vector<16xf32>,
    tpu.vector_store %arg23[%swap3A_698], %gather3A_697 {strides = array<i32>} : memref<1024xf32, #tpu.memory_space<vmem>>, vector<16xf32>,
    %add3A_700 = arith.constant 58 : i32
    %add3A_701 = vector.broadcast %add3A_700 : i32 to vector<16xi32>
    %add3A_702 = arith.addi %add3A_701, %iota3A : vector<16xi32>
    %and3A_703 = arith.constant 63 : i32
    %and3A_704 = vector.broadcast %and3A_703 : i32 to vector<16xi32>
    %and3A_705 = arith.andi %add3A_702, %and3A_704 : vector<16xi32>
    %gather3A_706 = tpu.vector_load_idx %arg20[%and3A_705] : memref<64xf32, #tpu.memory_space<vmem>>[vector<16xi32>], vector<16xf32>,
    %swap3A_707 = arith.constant 928 : index
    %swap3A_708 = tpu.vector_load %arg22[%swap3A_707] {strides = array<i32>} : memref<1024xf32, #tpu.memory_space<vmem>>, vector<16xf32>,
    tpu.vector_store %arg22[%swap3A_707], %gather3A_706 {strides = array<i32>} : memref<1024xf32, #tpu.memory_space<vmem>>, vector<16xf32>,
    %gather3A_709 = tpu.vector_load_idx %arg21[%and3A_705] : memref<64xf32, #tpu.memory_space<vmem>>[vector<16xi32>], vector<16xf32>,
    %swap3A_710 = arith.constant 928 : index
    %swap3A_711 = tpu.vector_load %arg23[%swap3A_710] {strides = array<i32>} : memref<1024xf32, #tpu.memory_space<vmem>>, vector<16xf32>,
    tpu.vector_store %arg23[%swap3A_710], %gather3A_709 {strides = array<i32>} : memref<1024xf32, #tpu.memory_space<vmem>>, vector<16xf32>,
    %add3A_712 = arith.constant 59 : i32
    %add3A_713 = vector.broadcast %add3A_712 : i32 to vector<16xi32>
    %add3A_714 = arith.addi %add3A_713, %iota3A : vector<16xi32>
    %and3A_715 = arith.constant 63 : i32
    %and3A_716 = vector.broadcast %and3A_715 : i32 to vector<16xi32>
    %and3A_717 = arith.andi %add3A_714, %and3A_716 : vector<16xi32>
    %gather3A_718 = tpu.vector_load_idx %arg20[%and3A_717] : memref<64xf32, #tpu.memory_space<vmem>>[vector<16xi32>], vector<16xf32>,
    %swap3A_719 = arith.constant 944 : index
    %swap3A_720 = tpu.vector_load %arg22[%swap3A_719] {strides = array<i32>} : memref<1024xf32, #tpu.memory_space<vmem>>, vector<16xf32>,
    tpu.vector_store %arg22[%swap3A_719], %gather3A_718 {strides = array<i32>} : memref<1024xf32, #tpu.memory_space<vmem>>, vector<16xf32>,
    %gather3A_721 = tpu.vector_load_idx %arg21[%and3A_717] : memref<64xf32, #tpu.memory_space<vmem>>[vector<16xi32>], vector<16xf32>,
    %swap3A_722 = arith.constant 944 : index
    %swap3A_723 = tpu.vector_load %arg23[%swap3A_722] {strides = array<i32>} : memref<1024xf32, #tpu.memory_space<vmem>>, vector<16xf32>,
    tpu.vector_store %arg23[%swap3A_722], %gather3A_721 {strides = array<i32>} : memref<1024xf32, #tpu.memory_space<vmem>>, vector<16xf32>,
    %add3A_724 = arith.constant 60 : i32
    %add3A_725 = vector.broadcast %add3A_724 : i32 to vector<16xi32>
    %add3A_726 = arith.addi %add3A_725, %iota3A : vector<16xi32>
    %and3A_727 = arith.constant 63 : i32
    %and3A_728 = vector.broadcast %and3A_727 : i32 to vector<16xi32>
    %and3A_729 = arith.andi %add3A_726, %and3A_728 : vector<16xi32>
    %gather3A_730 = tpu.vector_load_idx %arg20[%and3A_729] : memref<64xf32, #tpu.memory_space<vmem>>[vector<16xi32>], vector<16xf32>,
    %swap3A_731 = arith.constant 960 : index
    %swap3A_732 = tpu.vector_load %arg22[%swap3A_731] {strides = array<i32>} : memref<1024xf32, #tpu.memory_space<vmem>>, vector<16xf32>,
    tpu.vector_store %arg22[%swap3A_731], %gather3A_730 {strides = array<i32>} : memref<1024xf32, #tpu.memory_space<vmem>>, vector<16xf32>,
    %gather3A_733 = tpu.vector_load_idx %arg21[%and3A_729] : memref<64xf32, #tpu.memory_space<vmem>>[vector<16xi32>], vector<16xf32>,
    %swap3A_734 = arith.constant 960 : index
    %swap3A_735 = tpu.vector_load %arg23[%swap3A_734] {strides = array<i32>} : memref<1024xf32, #tpu.memory_space<vmem>>, vector<16xf32>,
    tpu.vector_store %arg23[%swap3A_734], %gather3A_733 {strides = array<i32>} : memref<1024xf32, #tpu.memory_space<vmem>>, vector<16xf32>,
    %add3A_736 = arith.constant 61 : i32
    %add3A_737 = vector.broadcast %add3A_736 : i32 to vector<16xi32>
    %add3A_738 = arith.addi %add3A_737, %iota3A : vector<16xi32>
    %and3A_739 = arith.constant 63 : i32
    %and3A_740 = vector.broadcast %and3A_739 : i32 to vector<16xi32>
    %and3A_741 = arith.andi %add3A_738, %and3A_740 : vector<16xi32>
    %gather3A_742 = tpu.vector_load_idx %arg20[%and3A_741] : memref<64xf32, #tpu.memory_space<vmem>>[vector<16xi32>], vector<16xf32>,
    %swap3A_743 = arith.constant 976 : index
    %swap3A_744 = tpu.vector_load %arg22[%swap3A_743] {strides = array<i32>} : memref<1024xf32, #tpu.memory_space<vmem>>, vector<16xf32>,
    tpu.vector_store %arg22[%swap3A_743], %gather3A_742 {strides = array<i32>} : memref<1024xf32, #tpu.memory_space<vmem>>, vector<16xf32>,
    %gather3A_745 = tpu.vector_load_idx %arg21[%and3A_741] : memref<64xf32, #tpu.memory_space<vmem>>[vector<16xi32>], vector<16xf32>,
    %swap3A_746 = arith.constant 976 : index
    %swap3A_747 = tpu.vector_load %arg23[%swap3A_746] {strides = array<i32>} : memref<1024xf32, #tpu.memory_space<vmem>>, vector<16xf32>,
    tpu.vector_store %arg23[%swap3A_746], %gather3A_745 {strides = array<i32>} : memref<1024xf32, #tpu.memory_space<vmem>>, vector<16xf32>,
    %add3A_748 = arith.constant 62 : i32
    %add3A_749 = vector.broadcast %add3A_748 : i32 to vector<16xi32>
    %add3A_750 = arith.addi %add3A_749, %iota3A : vector<16xi32>
    %and3A_751 = arith.constant 63 : i32
    %and3A_752 = vector.broadcast %and3A_751 : i32 to vector<16xi32>
    %and3A_753 = arith.andi %add3A_750, %and3A_752 : vector<16xi32>
    %gather3A_754 = tpu.vector_load_idx %arg20[%and3A_753] : memref<64xf32, #tpu.memory_space<vmem>>[vector<16xi32>], vector<16xf32>,
    %swap3A_755 = arith.constant 992 : index
    %swap3A_756 = tpu.vector_load %arg22[%swap3A_755] {strides = array<i32>} : memref<1024xf32, #tpu.memory_space<vmem>>, vector<16xf32>,
    tpu.vector_store %arg22[%swap3A_755], %gather3A_754 {strides = array<i32>} : memref<1024xf32, #tpu.memory_space<vmem>>, vector<16xf32>,
    %gather3A_757 = tpu.vector_load_idx %arg21[%and3A_753] : memref<64xf32, #tpu.memory_space<vmem>>[vector<16xi32>], vector<16xf32>,
    %swap3A_758 = arith.constant 992 : index
    %swap3A_759 = tpu.vector_load %arg23[%swap3A_758] {strides = array<i32>} : memref<1024xf32, #tpu.memory_space<vmem>>, vector<16xf32>,
    tpu.vector_store %arg23[%swap3A_758], %gather3A_757 {strides = array<i32>} : memref<1024xf32, #tpu.memory_space<vmem>>, vector<16xf32>,
    %add3A_760 = arith.constant 63 : i32
    %add3A_761 = vector.broadcast %add3A_760 : i32 to vector<16xi32>
    %add3A_762 = arith.addi %add3A_761, %iota3A : vector<16xi32>
    %and3A_763 = arith.constant 63 : i32
    %and3A_764 = vector.broadcast %and3A_763 : i32 to vector<16xi32>
    %and3A_765 = arith.andi %add3A_762, %and3A_764 : vector<16xi32>
    %gather3A_766 = tpu.vector_load_idx %arg20[%and3A_765] : memref<64xf32, #tpu.memory_space<vmem>>[vector<16xi32>], vector<16xf32>,
    %swap3A_767 = arith.constant 1008 : index
    %swap3A_768 = tpu.vector_load %arg22[%swap3A_767] {strides = array<i32>} : memref<1024xf32, #tpu.memory_space<vmem>>, vector<16xf32>,
    tpu.vector_store %arg22[%swap3A_767], %gather3A_766 {strides = array<i32>} : memref<1024xf32, #tpu.memory_space<vmem>>, vector<16xf32>,
    %gather3A_769 = tpu.vector_load_idx %arg21[%and3A_765] : memref<64xf32, #tpu.memory_space<vmem>>[vector<16xi32>], vector<16xf32>,
    %swap3A_770 = arith.constant 1008 : index
    %swap3A_771 = tpu.vector_load %arg23[%swap3A_770] {strides = array<i32>} : memref<1024xf32, #tpu.memory_space<vmem>>, vector<16xf32>,
    tpu.vector_store %arg23[%swap3A_770], %gather3A_769 {strides = array<i32>} : memref<1024xf32, #tpu.memory_space<vmem>>, vector<16xf32>,
    %scan3A = arith.constant 0 : i32
    %scan3A_772 = arith.constant 0 : i32
    %mul3A_773 = arith.constant 2 : i32
    %mul3A_774 = arith.muli %mul3A_773, %scan3A_772 : i32
    %add3A_775 = arith.constant 0 : i32
    %add3A_776 = arith.addi %mul3A_774, %add3A_775 : i32
    %convert_element_type3A_777 = arith.sitofp %add3A_776 : i32 to f32
    %broadcast_in_dim3A = arith.constant 0.000000e+00 : f32
    %broadcast_in_dim3A_778 = vector.broadcast %broadcast_in_dim3A : f32 to vector<16xf32>
    %add3A_779 = vector.broadcast %convert_element_type3A_777 : f32 to vector<16xf32>
    %add3A_780 = arith.addf %add3A_779, %broadcast_in_dim3A_778 : vector<16xf32>
    %swap3A_781 = arith.constant 0 : i32
    %swap3A_782 = arith.index_cast %swap3A_781 : i32 to index
    %swap3A_783 = arith.constant 0 : index
    %swap3A_784 = tpu.vector_load %arg18[%swap3A_782, %swap3A_783] {strides = array<i32>} : memref<256x64xf32, #tpu.memory_space<vmem>>, vector<16xf32>,
    tpu.vector_store %arg18[%swap3A_782, %swap3A_783], %add3A_780 {strides = array<i32>} : memref<256x64xf32, #tpu.memory_space<vmem>>, vector<16xf32>,
    %mul3A_785 = arith.constant 2 : i32
    %mul3A_786 = arith.muli %mul3A_785, %scan3A_772 : i32
    %add3A_787 = arith.constant 1 : i32
    %add3A_788 = arith.addi %mul3A_786, %add3A_787 : i32
    %convert_element_type3A_789 = arith.sitofp %add3A_788 : i32 to f32
    %broadcast_in_dim3A_790 = arith.constant 0.000000e+00 : f32
    %broadcast_in_dim3A_791 = vector.broadcast %broadcast_in_dim3A_790 : f32 to vector<16xf32>
    %add3A_792 = vector.broadcast %convert_element_type3A_789 : f32 to vector<16xf32>
    %add3A_793 = arith.addf %add3A_792, %broadcast_in_dim3A_791 : vector<16xf32>
    %swap3A_794 = arith.constant 0 : i32
    %swap3A_795 = arith.index_cast %swap3A_794 : i32 to index
    %swap3A_796 = arith.constant 0 : index
    %swap3A_797 = tpu.vector_load %arg18[%swap3A_795, %swap3A_796] {strides = array<i32>} : memref<256x64xf32, #tpu.memory_space<vmem>>, vector<16xf32>,
    tpu.vector_store %arg18[%swap3A_795, %swap3A_796], %add3A_793 {strides = array<i32>} : memref<256x64xf32, #tpu.memory_space<vmem>>, vector<16xf32>,
    %scan3A_798 = arith.constant 1 : i32
    %add3A_799 = arith.constant 25344 : i32
    %add3A_800 = arith.addi %mul3A_2, %add3A_799 : i32
    %dma_start3A = arith.constant 0 : i32
    %dma_start3A_801 = tpu.memref_slice %arg10[%add3A_800, %dma_start3A] : memref<819200x64xf32, #tpu.memory_space<hbm>> -> memref<256x64xf32, #tpu.memory_space<hbm>>
    %dma_start3A_802 = arith.constant 0 : i32
    %dma_start3A_803 = tpu.memref_slice %arg10[%add3A_800, %dma_start3A_802] : memref<819200x64xf32, #tpu.memory_space<hbm>> -> memref<256x64xf32, #tpu.memory_space<hbm>>
    tpu.enqueue_dma source(%arg18 : memref<256x64xf32, #tpu.memory_space<vmem>>) target(%dma_start3A_803 : memref<256x64xf32, #tpu.memory_space<hbm>>) target_semaphore(%arg33 : memref<!tpu.dma_semaphore, #tpu.memory_space<semaphore_mem>>)
    %add3A_804 = arith.constant 25344 : i32
    %add3A_805 = arith.addi %mul3A_2, %add3A_804 : i32
    %dma_wait3A = arith.constant 0 : i32
    %dma_wait3A_806 = tpu.memref_slice %arg10[%add3A_805, %dma_wait3A] : memref<819200x64xf32, #tpu.memory_space<hbm>> -> memref<256x64xf32, #tpu.memory_space<hbm>>
    %dma_wait3A_807 = arith.constant 0 : i32
    %dma_wait3A_808 = tpu.memref_slice %arg10[%add3A_805, %dma_wait3A_807] : memref<819200x64xf32, #tpu.memory_space<hbm>> -> memref<256x64xf32, #tpu.memory_space<hbm>>
    tpu.wait_dma2 semaphore(%arg33 : memref<!tpu.dma_semaphore, #tpu.memory_space<semaphore_mem>>) src(%arg18 : memref<256x64xf32, #tpu.memory_space<vmem>>) dst(%dma_wait3A_808 : memref<256x64xf32, #tpu.memory_space<hbm>>)
    return
  }
}

</mosaic_0001>

<sc_bundles>
// kernel: kernel.3.cloned.1.call-start
scs
__scs_entry_jumppad:
0x0: {  	(pc) =	sbr.rel $0x88, $3  }
0x1: {  	(tag) =	ssettag $0x0;
	lr =	simm.s32 $0x1  }
0x2: {  	[smem:$0x3F97] =	sst lr;
	_ =	strace $0xD0000000  }
0x3: {  	_ = 	snop  }
0x4: {  	_ = 	snop  }
0x5: {  	_ = 	snop  }
0x6: {  	_ = 	snop  }
0x7: {  	_ = 	snop  }
__scs_overlays_trampoline_lowered:
0x8: {  	[smem:$0x3FA6] =	sst s0  }
0x9: {  	[smem:$0x3FA7] =	sst s1  }
0xa: {  	[smem:$0x3FA8] =	sst s2  }
0xb: {  	[smem:$0x3FA9] =	sst s3  }
0xc: {  	[smem:$0x3FAA] =	sst s4  }
0xd: {  	[smem:$0x3FAB] =	sst s5  }
0xe: {  	[smem:$0x3FAC] =	sst s6  }
0xf: {  	[smem:$0x3FAD] =	sst s7  }
0x10: {  	[smem:$0x3FAE] =	sst s8  }
0x11: {  	[smem:$0x3FAF] =	sst s9;
	s0 =	simm.s32 @!p0 $0x0  }
0x12: {  	s1 =	sld [smem:$0x3F95];
	s0 =	simm.s32 @p0 $0x1  }
0x13: {  	[smem:$0x3FB0] =	sst s0;
	s0 =	simm.s32 @!p1 $0x0  }
0x14: {  	s2 =	sld [smem:$0x3F94];
	s0 =	simm.s32 @p1 $0x1  }
0x15: {  	[smem:$0x3FB1] =	sst s0;
	s0 =	simm.s32 @!p2 $0x0  }
0x16: {  	s3 =	sld [smem:$0x3FDB];
	s0 =	simm.s32 @p2 $0x1  }
0x17: {  	s4 =	simm.s32 $0x1BF5;
	[smem:$0x3FB3] =	sst s0  }
0x18: {  	s0 =	sld [smem:$0x3F96];
	_ =	swait.ge [sflag:s4], $0x0  }
0x19: {  	s7 =	sld [smem:$0x3F97]  }
0x1a: {  	s8 =	sadd.s32 $0xFFFFE003, lr  }
0x1b: {  	s9 =	sadd.s32 $0xFFFFFEF7, lr;
	s5 =	simm.s32 $0xFFFFFFFF;
	p2 =	slt.u32 s8, $0xFFFFF086  }
0x1c: {  	p1 =	slt.u32 s9, $0xF7A;
	s5 =	simm.s32 @!p2 $0x0  }
0x1d: {  	s5 =	simm.s32 @p1 $0x1;
	p0 =	seq.s32 s7, s2  }
0x1e: {  	s7 =	smul.u32 @!p0 $0xF7A, s2;
	p2 =	seq.s32 @!p0 s5, $0x0  }
0x1f: {  	s9 =	smul.u32 $0xF7A, s1;
	s8 =	simm.s32 @!p0 $0x1BF5;
	p2 =	por !p2, p0  }
0x20: {  	[sflag:s8] =	ssyncset.s32 @!p0 $0xFFFFF086;
	s6 =	sadd.s32 @!p0 s3, s7;
	s7 =	simm.s32 @!p0 $0x108  }
0x21: {  	s3 =	sadd.s32 s3, s9;
	s6 =	sadd.s32 @!p0 $0x88, s6;
	s7 =	simm.s32 @p2 $0x1082  }
0x22: {  	[simem:s7], [sflag:s8] =	dma.local @!p0 [hbm:s6], $0xF7A  }
0x23: {  	s9 =	sor.u32 $0xD0000000, s2;
	s6 =	simm.s32 $0x108;
	_ =	swait.ge @!p0 [sflag:s8], $0x0  }
0x24: {  	s3 =	sadd.s32 $0x88, s3;
	s6 =	simm.s32 @!p1 $0x1082;
	[sflag:s4] =	ssyncset.s32 $0xFFFFF086  }
0x25: {  	[simem:s6], [sflag:s4] =	dma.local [hbm:s3], $0xF7A  }
0x26: {  	[smem:$0x3F97] =	sst s1;
	(tag) =	ssettag s2;
	_ =	strace s9  }
0x27: {  	s1 =	sld [smem:$0x3FA7]  }
0x28: {  	s2 =	sld [smem:$0x3FA8]  }
0x29: {  	s4 =	sld [smem:$0x3FAA]  }
0x2a: {  	p0 =	seq.s32 s5, $0x0;
	s5 =	sld [smem:$0x3FAB]  }
0x2b: {  	s6 =	sld [smem:$0x3FAC]  }
0x2c: {  	s7 =	sld [smem:$0x3FAD]  }
0x2d: {  	s3 =	simm.s32 $0x108;
	s8 =	sld [smem:$0x3FAE]  }
0x2e: {  	s3 =	simm.s32 @!p0 $0x1082;
	s9 =	sld [smem:$0x3FAF]  }
0x2f: {  	lr =	sadd.s32 s0, s3;
	s0 =	sld [smem:$0x3FA6]  }
0x30: {  	s3 =	sld [smem:$0x3FA9]  }
0x31: {  	[smem:$0x3FB2] =	sst s10  }
0x32: {  	s10 =	sld [smem:$0x3FB0];
	_ =	sdelay $0x3  }
0x33: {  	p0 =	seq.s32 s10, $0x1;
	s10 =	sld [smem:$0x3FB2];
	_ =	sdelay $0x3  }
0x34: {  	[smem:$0x3FB2] =	sst s10  }
0x35: {  	s10 =	sld [smem:$0x3FB1];
	_ =	sdelay $0x3  }
0x36: {  	p1 =	seq.s32 s10, $0x1;
	s10 =	sld [smem:$0x3FB2];
	_ =	sdelay $0x3  }
0x37: {  	[smem:$0x3FB2] =	sst s10  }
0x38: {  	s10 =	sld [smem:$0x3FB3]  }
0x39: {  	_ = 	snop;
	(pc) =	sbr.ind lr, $3  }
0x3a: {  	_ = 	snop  }
0x3b: {  	_ = 	snop  }
0x3c: {  	p2 =	seq.s32 s10, $0x1;
	s10 =	sld [smem:$0x3FB2]  }
0x3d: {  	_ =	shalt  }
0x3e: {  	_ =	shalt  }
0x3f: {  	_ =	shalt  }
0x40: {  	_ =	shalt  }
0x41: {  	_ =	shalt  }
0x42: {  	_ =	shalt  }
0x43: {  	_ =	shalt  }
0x44: {  	_ =	shalt  }
0x45: {  	_ =	shalt  }
0x46: {  	_ =	shalt  }
0x47: {  	_ =	shalt  }
0x48: {  	_ =	shalt  }
0x49: {  	_ =	shalt  }
0x4a: {  	_ =	shalt  }
0x4b: {  	_ =	shalt  }
0x4c: {  	_ =	shalt  }
0x4d: {  	_ =	shalt  }
0x4e: {  	_ =	shalt  }
0x4f: {  	_ =	shalt  }
0x50: {  	_ =	shalt  }
0x51: {  	_ =	shalt  }
0x52: {  	_ =	shalt  }
0x53: {  	_ =	shalt  }
0x54: {  	_ =	shalt  }
0x55: {  	_ =	shalt  }
0x56: {  	_ =	shalt  }
0x57: {  	_ =	shalt  }
0x58: {  	_ =	shalt  }
0x59: {  	_ =	shalt  }
0x5a: {  	_ =	shalt  }
0x5b: {  	_ =	shalt  }
0x5c: {  	_ =	shalt  }
0x5d: {  	_ =	shalt  }
0x5e: {  	_ =	shalt  }
0x5f: {  	_ =	shalt  }
0x60: {  	_ =	shalt  }
0x61: {  	_ =	shalt  }
0x62: {  	_ =	shalt  }
0x63: {  	_ =	shalt  }
0x64: {  	_ =	shalt  }
0x65: {  	_ =	shalt  }
0x66: {  	_ =	shalt  }
0x67: {  	_ =	shalt  }
0x68: {  	_ =	shalt  }
0x69: {  	_ =	shalt  }
0x6a: {  	_ =	shalt  }
0x6b: {  	_ =	shalt  }
0x6c: {  	_ =	shalt  }
0x6d: {  	_ =	shalt  }
0x6e: {  	_ =	shalt  }
0x6f: {  	_ =	shalt  }
0x70: {  	_ =	shalt  }
0x71: {  	_ =	shalt  }
0x72: {  	_ =	shalt  }
0x73: {  	_ =	shalt  }
0x74: {  	_ =	shalt  }
0x75: {  	_ =	shalt  }
0x76: {  	_ =	shalt  }
0x77: {  	_ =	shalt  }
0x78: {  	_ =	shalt  }
0x79: {  	_ =	shalt  }
0x7a: {  	_ =	shalt  }
0x7b: {  	_ =	shalt  }
0x7c: {  	_ =	shalt  }
0x7d: {  	_ =	shalt  }
0x7e: {  	_ =	shalt  }
0x7f: {  	_ =	shalt  }
0x80: {  	_ =	shalt  }
0x81: {  	_ =	shalt  }
0x82: {  	_ =	shalt  }
0x83: {  	_ =	shalt  }
0x84: {  	_ =	shalt  }
0x85: {  	_ =	shalt  }
0x86: {  	_ =	shalt  }
0x87: {  	_ =	shalt  }
.Lfunc_end0:
.L_simem_size_0:
called_computation.2_lowered:
.L_overlay_start_0:
0x88: {  	s2 =	sld [smem:$0x3FD9]  }
0x89: {  	s3 =	sld [smem:$0x3FFE];
	_ =	sdelay $0x1  }
0x8a: {  	s1 =	srdreg.scid  }
0x8b: {  	s0 =	sand.u32 $0x1, s1  }
0x8c: {  	s14 =	sshll.u32 s0, $0xA;
	s2 =	sadd.s32 s3, s2  }
0x8d: {  	s2 =	sadd.s32 s2, s14  }
0x8e: {  	[smem:$0x3FBE] =	sst s2  }
0x8f: {  	_ = 	snop  }
0x90: {  	s2 =	sld [smem:$0x3FD0];
	_ =	sdelay $0x1  }
0x91: {  	s15 =	sld [smem:$0x3FC1]  }
0x92: {  	s5 =	simm.s32 $0xB;
	s6 =	simm.s32 $0x10;
	s4 =	sld [smem:$0x3FC0]  }
0x93: {  	[smem:s6], [sflag:s5] =	dma.local [hbm:s2], $0x1  }
0x94: {  	_ =	swait.eq [sflag:s5], $0x1  }
0x95: {  	[sflag:s5] =	ssyncset.done $0x0  }
0x96: {  	[sflag:s5] =	ssyncadd.s32 $0xFFFFFFFF  }
0x97: {  	s16 =	sld [smem:$0x10];
	(tm) =	ssettm $0x1  }
0x98: {  	s17 =	sld [smem:$0x3FFB];
	_ =	sdelay $0x3  }
0x99: {  	_ =	strace s17  }
0x9a: {  	s5 =	sld [smem:$0x3FFC];
	_ =	sdelay $0x3  }
0x9b: {  	_ =	strace s5  }
0x9c: {  	s5 =	sld [smem:$0x3FFD];
	_ =	sdelay $0x3  }
0x9d: {  	_ =	strace s5  }
0x9e: {  	_ =	strace $0x8FFFFFFF  }
0x9f: {  	s18 =	sld [smem:$0x3FDB];
	_ =	sdelay $0x1  }
0xa0: {  	s19 =	simm.s32 $_scs_section_size  }
0xa1: {  	s7 =	simm.s32 $_size__tile_overlayer_lowered;
	s8 =	simm.s32 $_tile_overlayer_lowered  }
0xa2: {  	s22 =	simm.s32 $0x1BFF;
	s21 =	sshll.u32 s8, $0x1;
	s5 =	sadd.s32 s19, s18  }
0xa3: {  	s9 =	simm.s32 $0x0;
	s20 =	sshll.u32 s7, $0x1;
	s7 =	sadd.s32 s21, s5  }
0xa4: {  	[timem:s9], [sflag:s22] =	dma.local [hbm:s7], s20  }
0xa5: {  	_ =	swait.ge [sflag:s22], s20  }
0xa6: {  	s6 =	ssub.s32 $0x0, s20;
	[sflag:s22] =	ssyncset.done $0x0  }
0xa7: {  	[sflag:s22] =	ssyncadd.s32 s6;
	_ =	sdelay $0x1  }
0xa8: {  	s23 =	simm.s32 $0x1B8B  }
0xa9: {  	_ =	swait.ge [sflag:s23], $0x1  }
0xaa: {  	[sflag:s23] =	ssyncset.done $0x0  }
0xab: {  	s25 =	simm.s32 $0x1B8E;
	s24 =	sld [smem:$0x3FFE];
	[sflag:s23] =	ssyncadd.s32 $0xFFFFFFFF  }
0xac: {  	s26 =	simm.s32 $execute0_lowered;
	[smem:$0x3FD2] =	sst s25  }
0xad: {  	s7 =	sshll.u32 s26, $0x1;
	_ =	strace $0x80000046;
	[dreg:$0x1] =	wrdreg $0xFFFFFFFF  }
0xae: {  	s28 =	simm.s32 $_size_execute0_lowered;
	s5 =	sadd.s32 s5, s7;
	[dreg:$0x0] =	wrdreg $0x0  }
0xaf: {  	s7 =	sshll.u32 s28, $0x1;
	[dreg:$0x2] =	wrdreg s5  }
0xb0: {  	[dreg:$0x3] =	wrdreg s7  }
0xb1: {  	[dreg:$0x4] =	wrdreg $0xC0  }
0xb2: {  	_ =	task [dreg:s9], $0x5FFFF  }
0xb3: {  	[dreg:$0x1] =	wrdreg $0xFFFFFFFF  }
0xb4: {  	[dreg:$0x0] =	wrdreg $0x60  }
0xb5: {  	[dreg:$0x2] =	wrdreg s24  }
0xb6: {  	[dreg:$0x3] =	wrdreg s15  }
0xb7: {  	[dreg:$0x4] =	wrdreg s4  }
0xb8: {  	[dreg:$0x5] =	wrdreg s16  }
0xb9: {  	[dreg:$0x6] =	wrdreg $0xAC800  }
0xba: {  	[dreg:$0x7] =	wrdreg $0x9  }
0xbb: {  	_ =	task.clear_ibuf [dreg:s9], $0x8FFFF;
	_ =	strace $0x90000046  }
0xbc: {  	s29 =	simm.s32 $0x9;
	_ =	strace $0x80000048  }
0xbd: {  	_ =	swait.ge [sflag:s29], $0x1  }
0xbe: {  	[sflag:s29] =	ssyncadd.s32 $0xFFFFFFFF  }
0xbf: {  	_ =	strace $0x90000048  }
0xc0: {  	_ =	sfence  }
0xc1: {  	s30 =	sld [smem:$0x0];
	_ =	sdelay $0x2  }
0xc2: {  	s31 =	sshll.u32 s1, $0xD;
	s1 =	sshrl.u32 s1, $0x2  }
0xc3: {  	s3 =	sand.u32 $0x4000, s31;
	s1 =	sadd.s32 s1, s30  }
0xc4: {  	s0 =	sor.u32 s3, s0;
	s1 =	sshll.u32 s1, $0x11  }
0xc5: {  	s0 =	sor.u32 s1, s0  }
0xc6: {  	s0 =	sadd.s32 $0x8F2B, s0  }
0xc7: {  	[sflag:s0] =	ssyncadd.remote.s32 $0x1  }
0xc8: {  	_ =	sfence.sel $0xFFFF  }
0xc9: {  	[dreg:$0x0] =	wrdreg $0xFFFFFFFF;
	(pc) =	sbr.abs _section_cstart, $3  }
0xca: {  	[dreg:$0x1] =	wrdreg $0xFFFFFFFF  }
0xcb: {  	_ =	task.clear_ibuf [dreg:s9], $0x2FFFF;
	_ =	strace $0x9FFFFFFF  }
0xcc: {  	(tm) =	ssettm $0x7FFFFFFF  }
0xcd: {  	_ =	shalt  }
tec
execute0_lowered:
.L_overlay_start_1:
0x0: {  	(tag) =	ssettag $0x1  }
0x1: {  	v0 =	vlaneseq.u32;
	v36 =	vimm.s32 $0x34333231  }
0x2: {  	v37 =	vimm.s32 $0x38373635;
	v53 =	vimm.s32 $0x3C3B3A39;
	v38 =	vimm.s32 $0x3F3E3D  }
0x3: {  	vm0 =	vcmask $0x1F10;
	v42 =	vimm.s32 $0x35343332;
	v43 =	vimm.s32 $0x39383736  }
0x4: {  	v55 =	vimm.s32 $0x3D3C3B3A;
	v56 =	vimm.s32 $0x1003F3E;
	v44 =	vimm.s32 $0x36353433  }
0x5: {  	v58 =	vimm.s32 $0x3A393837;
	v45 =	vimm.s32 $0x3E3D3C3B;
	v46 =	vimm.s32 $0x201003F  }
0x6: {  	v59 =	vimm.s32 $0x3020100;
	v61 =	vimm.s32 $0x3F3E3D3C;
	v62 =	vimm.s32 $0x37363534  }
0x7: {  	v63 =	vimm.s32 $0x3B3A3938;
	vm1 =	vcmask $0x2F10;
	vm2 =	vcmask $0x3F30  }
0x8: {  	v1 =	vadd.s32 $0x1, v0;
	v2 =	vadd.s32 $0x2, v0;
	v3 =	vadd.s32 $0x3, v0  }
0x9: {  	v4 =	vadd.s32 $0x4, v0;
	v5 =	vadd.s32 $0x5, v0;
	v6 =	vadd.s32 $0x6, v0  }
0xa: {  	v7 =	vadd.s32 $0x7, v0;
	v8 =	vadd.s32 $0x8, v0;
	v9 =	vadd.s32 $0x9, v0  }
0xb: {  	v10 =	vadd.s32 $0xA, v0;
	v11 =	vadd.s32 $0xB, v0;
	v12 =	vadd.s32 $0xC, v0  }
0xc: {  	v13 =	vadd.s32 $0xD, v0;
	v14 =	vadd.s32 $0xE, v0;
	v15 =	vadd.s32 $0xF, v0  }
0xd: {  	v16 =	vor.u32 $0x10, v0;
	v17 =	vadd.s32 $0x11, v0;
	v18 =	vadd.s32 $0x12, v0  }
0xe: {  	v19 =	vadd.s32 $0x13, v0;
	v20 =	vadd.s32 $0x14, v0;
	v21 =	vadd.s32 $0x15, v0  }
0xf: {  	v22 =	vadd.s32 $0x16, v0;
	v23 =	vadd.s32 $0x17, v0;
	v24 =	vadd.s32 $0x18, v0  }
0x10: {  	v25 =	vadd.s32 $0x19, v0;
	v26 =	vadd.s32 $0x1A, v0;
	v27 =	vadd.s32 $0x1B, v0  }
0x11: {  	v28 =	vadd.s32 $0x1C, v0;
	v29 =	vadd.s32 $0x1D, v0;
	v30 =	vadd.s32 $0x1E, v0  }
0x12: {  	v31 =	vadd.s32 $0x1F, v0;
	v32 =	vor.u32 $0x20, v0;
	v33 =	vadd.s32 $0x21, v0  }
0x13: {  	v34 =	vadd.s32 $0x22, v0;
	v35 =	vadd.s32 $0x23, v0;
	v36 =	vunpack.c.0.s8.s32 v36  }
0x14: {  	v40 =	vunpack.c.0.s8.s32 v37;
	v41 =	vunpack.c.0.s8.s32 v53;
	v37 =	vunpack.c.0.s8.s32 v38  }
0x15: {  	v38 =	vadd.s32 $0x24, v0;
	v39 =	vadd.s32 $0x25, v0;
	v54 =	vunpack.c.0.s8.s32 v42  }
0x16: {  	v47 =	vunpack.c.0.s8.s32 v43;
	v48 =	vunpack.c.0.s8.s32 v55;
	v42 =	vunpack.c.0.s8.s32 v56  }
0x17: {  	v57 =	vunpack.c.0.s8.s32 v44;
	v49 =	vunpack.c.0.s8.s32 v58;
	v50 =	vunpack.c.0.s8.s32 v45  }
0x18: {  	v44 =	vunpack.c.0.s8.s32 v46;
	v60 =	vunpack.c.0.s8.s32 v59;
	v45 =	vunpack.c.0.s8.s32 v61  }
0x19: {  	v52 =	vunpack.c.0.s8.s32 v62;
	v53 =	vunpack.c.0.s8.s32 v63;
	v58 =	vimm.s32 $0x4030201  }
0x1a: {  	v61 =	vimm.s32 $0x5040302;
	v62 =	vimm.s32 $0x98765432;
	v55 =	vimm.s32 $0x32107654  }
0x1b: {  	v59 =	vunpack.c.0.s8.s32 v58;
	v55 =	vunpack.c.l.s4.s8 v55;
	v36 =	vsel vm0, v40, v36  }
0x1c: {  	[tilespmem:$0x1FF60] =	vst v41;
	v41 =	vsel vm0, v37, v41;
	v46 =	vsel vm0, v42, v48;
	v43 =	vsel vm0, v49, v57  }
0x1d: {  	[tilespmem:$0x1FF50] =	vst v40;
	v51 =	vsel vm0, v44, v50;
	v56 =	vsel vm0, v60, v45;
	v57 =	vsel vm0, v53, v52  }
0x1e: {  	[tilespmem:$0x1FFB0] =	vst v53;
	v60 =	vimm.s32 $0x87654321;
	v52 =	vunpack.c.0.s8.s32 v61;
	v53 =	vunpack.c.l.s4.s8 v62  }
0x1f: {  	[tilespmem:$0x1FF70] =	vst v47;
	v61 =	vimm.s32 $0xB0A0908;
	v62 =	vimm.s32 $0x54329876;
	v40 =	vcombine.low v36, v41  }
0x20: {  	[tilespmem:$0x1FF90] =	vst v49;
	v36 =	vsel vm0, v47, v54;
	v47 =	vadd.s32 $0x26, v0;
	v49 =	vcombine.low v43, v51  }
0x21: {  	[tilespmem:$0x1FFA0] =	vst v50;
	v50 =	vcombine.low v57, v56;
	v43 =	vunpack.c.l.s4.s8 v60;
	v54 =	vimm.s32 $0xA9876543  }
0x22: {  	[tilespmem:$0x1FF80] =	vst v48;
	v57 =	vunpack.c.0.s8.s32 v55;
	v48 =	vcombine.low v36, v46;
	v54 =	vunpack.c.l.s4.s8 v54  }
0x23: {  	v36 =	vsel vm0, v59, v37;
	v63 =	vunpack.c.0.s8.s32 v53;
	v52 =	vsel vm0, v52, v42  }
0x24: {  	v59 =	vimm.s32 $0x43218765;
	v43 =	vunpack.c.0.s8.s32 v43;
	[tilespmem:$0x1FFD0] =	vst v52;
	v52 =	vimm.s32 $0xE0D0C0B  }
0x25: {  	[tilespmem:$0x1FFC0] =	vst v36;
	v56 =	vunpack.c.0.s8.s32 v54;
	v36 =	vand.u32 $0xF, v63;
	v63 =	vimm.s32 $0xC0B0A09  }
0x26: {  	v43 =	vand.u32 $0xF, v43;
	v54 =	vcombine.low v46, v36;
	v46 =	vunpack.c.l.s4.s8 v62  }
0x27: {  	v62 =	vimm.s32 $0x6543A987;
	v53 =	vcombine.low v41, v43;
	v58 =	vand.u32 $0xF, v56  }
0x28: {  	s5 =	rddreg [dreg:$0x0];
	v41 =	vand.u32 $0xF, v57;
	v43 =	vunpack.c.l.s4.s8 v59;
	v55 =	vcombine.low v51, v58  }
0x29: {  	s0 =	rddreg [dreg:$0x1];
	v60 =	vsel vm1, v41, v45;
	v41 =	vunpack.c.0.s8.s32 v61;
	v61 =	vunpack.c.0.s8.s32 v46  }
0x2a: {  	s1 =	rddreg [dreg:$0x2];
	[tilespmem:$0x1FFE0] =	vst v45;
	v45 =	vunpack.c.l.s4.s8 v62;
	v46 =	vimm.s32 $0x6050403;
	v51 =	vimm.s32 $0x76543210  }
0x2b: {  	s6 =	rddreg [dreg:$0x3];
	s2 =	srdreg.scid;
	v62 =	vadd.s32 $0x28, v0;
	v43 =	vunpack.c.0.s8.s32 v43;
	v56 =	vsel vm2, v41, v60  }
0x2c: {  	s8 =	stileid.u32;
	s12 =	rddreg [dreg:$0x4];
	v60 =	vunpack.c.0.s8.s32 v63;
	v63 =	vimm.s32 $0xD0C0B0A;
	v41 =	vunpack.c.0.s8.s32 v45  }
0x2d: {  	s3 =	simm.s32 $0x0;
	s11 =	simm.s32 $0x4000;
	s13 =	simm.s32 $0x1;
	v59 =	vand.u32 $0xF, v43;
	v43 =	vunpack.c.0.s8.s32 v46;
	v46 =	vadd.s32 $0x2F, v0  }
0x2e: {  	s4 =	sand.u32 $0x1, s2;
	s7 =	sshll.u32 s8, $0x1;
	s2 =	rddreg [dreg:$0x5];
	v36 =	vsel vm1, v59, v37;
	v37 =	vand.u32 $0xF, v61;
	v59 =	vunpack.c.l.s4.s8 v51  }
0x2f: {  	[smem:$0x7FF] =	sst s3;
	p0 =	sne.s32 s8, $0x0;
	s7 =	sor.u32 s4, s7;
	v41 =	vand.u32 $0xF, v41;
	v51 =	vor.u32 $0x30, v0;
	v57 =	vsel vm2, v60, v36  }
0x30: {  	s8 =	simm.s32 $0xA400;
	s9 =	ssub.s32 $0x2, s4;
	s7 =	smul.u32 $0x190000, s7;
	v36 =	vunpack.c.0.s8.s32 v63;
	v37 =	vsel vm1, v37, v42;
	v63 =	vsel vm0, v43, v44  }
0x31: {  	s4 =	sadd.s32 $0x4F000, s5;
	s5 =	sadd.s32 $0x4D000, s5;
	s10 =	sshrl.u32 s9, $0x1;
	v41 =	vsel vm1, v41, v44;
	v60 =	vadd.s32 $0x27, v0;
	v42 =	vadd.s32 $0x2C, v0  }
0x32: {  	s12 =	sshrl.u32 @!p0 s12, $0x3;
	s9 =	ssub.s32 s9, s10;
	s7 =	sshrl.u32 s7, $0x3;
	v43 =	vadd.s32 $0x2D, v0;
	v58 =	vsel vm2, v36, v37;
	v36 =	vunpack.c.0.s8.s32 v52  }
0x33: {  	s10 =	simm.s32 $0xA440;
	s6 =	sadd.s32 s6, s7;
	_ =	strace $0x80000047;
	v44 =	vadd.s32 $0x2E, v0;
	[tilespmem:$0x1FFF0] =	vst v63;
	v63 =	vunpack.c.0.s8.s32 v59;
	v37 =	vadd.s32 $0x2A, v0  }
0x34: {  	s7 =	smax.u32 s9, $0x1;
	s9 =	simm.s32 $0x2;
	s6 =	sadd.s32 $0x31800, s6;
	v61 =	vsel vm2, v36, v41;
	v36 =	vadd.s32 $0x29, v0;
	v41 =	vadd.s32 $0x2B, v0  }
.LBB2_1:
0x35: {  	[tilespmem:s8], [sflag:$0x2] =	stream.linear.gather [hbm4b:s0+s3], $0x40, $0x38;
	[tilespmem:$0xBC20] =	vst v63  }
0x36: {  	_ =	swait.ge [sflag:s9], $0x40  }
0x37: {  	[sflag:s9] =	ssyncset.done $0x0  }
0x38: {  	[sflag:s9] =	ssyncadd.s32 $0xFFFFFFC0  }
0x39: {  	[tilespmem:s10], [sflag:$0x2] =	stream.linear.gather [hbm4b:s1+s3], $0x40, $0x38;
	[tilespmem:$0xBC20] =	vst v63  }
0x3a: {  	_ =	swait.ge [sflag:s9], $0x40  }
0x3b: {  	[sflag:s9] =	ssyncset.done $0x0  }
0x3c: {  	[sflag:s9] =	ssyncadd.s32 $0xFFFFFFC0  }
0x3d: {  	[tilespmem:s11], [sflag:$0x2] =	stream.linear.gather [hbm4b:s4+s3], $0x6400, $0x38;
	[tilespmem:$0xBC20] =	vst v63  }
0x3e: {  	_ =	swait.ge [sflag:s9], $0x6400  }
0x3f: {  	[sflag:s9] =	ssyncset.done $0x0  }
0x40: {  	s14 =	simm.s32 @!p0 $0x1C02;
	[sflag:s9] =	ssyncadd.s32 $0xFFFF9C00  }
0x41: {  	[spmem:s12], [sflag:s14] =	dma.local @!p0 [hbm:s5], $0x1F40  }
0x42: {  	s14 =	simm.s32 @!p0 $0x2  }
0x43: {  	_ =	swait.ge @!p0 [sflag:s14], $0x1F40  }
0x44: {  	[sflag:s14] =	ssyncset.done @!p0 $0x0  }
0x45: {  	[sflag:s14] =	ssyncadd.s32 @!p0 $0xFFFFE0C0  }
0x46: {  	[bflag:$0x0] =	sbarrier.arrive $0xFFFF  }
0x47: {  	v52 =	vld.idx.msk [tilespmem:v0+s8+$0x0], $0xffff;
	_ =	sdelay $0x4  }
0x48: {  	[tilespmem:$0xA480] =	vst v52  }
0x49: {  	v52 =	vld.idx.msk [tilespmem:v0+s10+$0x0], $0xffff;
	_ =	sdelay $0x4  }
0x4a: {  	[tilespmem:$0xA880] =	vst v52  }
0x4b: {  	v52 =	vld.idx.msk [tilespmem:v1+s8+$0x0], $0xffff;
	_ =	sdelay $0x4  }
0x4c: {  	[tilespmem:$0xA490] =	vst v52  }
0x4d: {  	v52 =	vld.idx.msk [tilespmem:v1+s10+$0x0], $0xffff;
	_ =	sdelay $0x4  }
0x4e: {  	[tilespmem:$0xA890] =	vst v52  }
0x4f: {  	v52 =	vld.idx.msk [tilespmem:v2+s8+$0x0], $0xffff;
	_ =	sdelay $0x4  }
0x50: {  	[tilespmem:$0xA4A0] =	vst v52  }
0x51: {  	v52 =	vld.idx.msk [tilespmem:v2+s10+$0x0], $0xffff;
	_ =	sdelay $0x4  }
0x52: {  	[tilespmem:$0xA8A0] =	vst v52  }
0x53: {  	v52 =	vld.idx.msk [tilespmem:v3+s8+$0x0], $0xffff;
	_ =	sdelay $0x4  }
0x54: {  	[tilespmem:$0xA4B0] =	vst v52  }
0x55: {  	v52 =	vld.idx.msk [tilespmem:v3+s10+$0x0], $0xffff;
	_ =	sdelay $0x4  }
0x56: {  	[tilespmem:$0xA8B0] =	vst v52  }
0x57: {  	v52 =	vld.idx.msk [tilespmem:v4+s8+$0x0], $0xffff;
	_ =	sdelay $0x4  }
0x58: {  	[tilespmem:$0xA4C0] =	vst v52  }
0x59: {  	v52 =	vld.idx.msk [tilespmem:v4+s10+$0x0], $0xffff;
	_ =	sdelay $0x4  }
0x5a: {  	[tilespmem:$0xA8C0] =	vst v52  }
0x5b: {  	v52 =	vld.idx.msk [tilespmem:v5+s8+$0x0], $0xffff;
	_ =	sdelay $0x4  }
0x5c: {  	[tilespmem:$0xA4D0] =	vst v52  }
0x5d: {  	v52 =	vld.idx.msk [tilespmem:v5+s10+$0x0], $0xffff;
	_ =	sdelay $0x4  }
0x5e: {  	[tilespmem:$0xA8D0] =	vst v52  }
0x5f: {  	v52 =	vld.idx.msk [tilespmem:v6+s8+$0x0], $0xffff;
	_ =	sdelay $0x4  }
0x60: {  	[tilespmem:$0xA4E0] =	vst v52  }
0x61: {  	v52 =	vld.idx.msk [tilespmem:v6+s10+$0x0], $0xffff;
	_ =	sdelay $0x4  }
0x62: {  	[tilespmem:$0xA8E0] =	vst v52  }
0x63: {  	v52 =	vld.idx.msk [tilespmem:v7+s8+$0x0], $0xffff;
	_ =	sdelay $0x4  }
0x64: {  	[tilespmem:$0xA4F0] =	vst v52  }
0x65: {  	v52 =	vld.idx.msk [tilespmem:v7+s10+$0x0], $0xffff;
	_ =	sdelay $0x4  }
0x66: {  	[tilespmem:$0xA8F0] =	vst v52  }
0x67: {  	v52 =	vld.idx.msk [tilespmem:v8+s8+$0x0], $0xffff;
	_ =	sdelay $0x4  }
0x68: {  	[tilespmem:$0xA500] =	vst v52  }
0x69: {  	v52 =	vld.idx.msk [tilespmem:v8+s10+$0x0], $0xffff;
	_ =	sdelay $0x4  }
0x6a: {  	[tilespmem:$0xA900] =	vst v52  }
0x6b: {  	v52 =	vld.idx.msk [tilespmem:v9+s8+$0x0], $0xffff;
	_ =	sdelay $0x4  }
0x6c: {  	[tilespmem:$0xA510] =	vst v52  }
0x6d: {  	v52 =	vld.idx.msk [tilespmem:v9+s10+$0x0], $0xffff;
	_ =	sdelay $0x4  }
0x6e: {  	[tilespmem:$0xA910] =	vst v52  }
0x6f: {  	v52 =	vld.idx.msk [tilespmem:v10+s8+$0x0], $0xffff;
	_ =	sdelay $0x4  }
0x70: {  	[tilespmem:$0xA520] =	vst v52  }
0x71: {  	v52 =	vld.idx.msk [tilespmem:v10+s10+$0x0], $0xffff;
	_ =	sdelay $0x4  }
0x72: {  	[tilespmem:$0xA920] =	vst v52  }
0x73: {  	v52 =	vld.idx.msk [tilespmem:v11+s8+$0x0], $0xffff;
	_ =	sdelay $0x4  }
0x74: {  	[tilespmem:$0xA530] =	vst v52  }
0x75: {  	v52 =	vld.idx.msk [tilespmem:v11+s10+$0x0], $0xffff;
	_ =	sdelay $0x4  }
0x76: {  	[tilespmem:$0xA930] =	vst v52  }
0x77: {  	v52 =	vld.idx.msk [tilespmem:v12+s8+$0x0], $0xffff;
	_ =	sdelay $0x4  }
0x78: {  	[tilespmem:$0xA540] =	vst v52  }
0x79: {  	v52 =	vld.idx.msk [tilespmem:v12+s10+$0x0], $0xffff;
	_ =	sdelay $0x4  }
0x7a: {  	[tilespmem:$0xA940] =	vst v52  }
0x7b: {  	v52 =	vld.idx.msk [tilespmem:v13+s8+$0x0], $0xffff;
	_ =	sdelay $0x4  }
0x7c: {  	[tilespmem:$0xA550] =	vst v52  }
0x7d: {  	v52 =	vld.idx.msk [tilespmem:v13+s10+$0x0], $0xffff;
	_ =	sdelay $0x4  }
0x7e: {  	[tilespmem:$0xA950] =	vst v52  }
0x7f: {  	v52 =	vld.idx.msk [tilespmem:v14+s8+$0x0], $0xffff;
	_ =	sdelay $0x4  }
0x80: {  	[tilespmem:$0xA560] =	vst v52  }
0x81: {  	v52 =	vld.idx.msk [tilespmem:v14+s10+$0x0], $0xffff;
	_ =	sdelay $0x4  }
0x82: {  	[tilespmem:$0xA960] =	vst v52  }
0x83: {  	v52 =	vld.idx.msk [tilespmem:v15+s8+$0x0], $0xffff;
	_ =	sdelay $0x4  }
0x84: {  	[tilespmem:$0xA570] =	vst v52  }
0x85: {  	v52 =	vld.idx.msk [tilespmem:v15+s10+$0x0], $0xffff;
	_ =	sdelay $0x4  }
0x86: {  	[tilespmem:$0xA970] =	vst v52  }
0x87: {  	v52 =	vld.idx.msk [tilespmem:v16+s8+$0x0], $0xffff;
	_ =	sdelay $0x4  }
0x88: {  	[tilespmem:$0xA580] =	vst v52  }
0x89: {  	v52 =	vld.idx.msk [tilespmem:v16+s10+$0x0], $0xffff;
	_ =	sdelay $0x4  }
0x8a: {  	[tilespmem:$0xA980] =	vst v52  }
0x8b: {  	v52 =	vld.idx.msk [tilespmem:v17+s8+$0x0], $0xffff;
	_ =	sdelay $0x4  }
0x8c: {  	[tilespmem:$0xA590] =	vst v52  }
0x8d: {  	v52 =	vld.idx.msk [tilespmem:v17+s10+$0x0], $0xffff;
	_ =	sdelay $0x4  }
0x8e: {  	[tilespmem:$0xA990] =	vst v52  }
0x8f: {  	v52 =	vld.idx.msk [tilespmem:v18+s8+$0x0], $0xffff;
	_ =	sdelay $0x4  }
0x90: {  	[tilespmem:$0xA5A0] =	vst v52  }
0x91: {  	v52 =	vld.idx.msk [tilespmem:v18+s10+$0x0], $0xffff;
	_ =	sdelay $0x4  }
0x92: {  	[tilespmem:$0xA9A0] =	vst v52  }
0x93: {  	v52 =	vld.idx.msk [tilespmem:v19+s8+$0x0], $0xffff;
	_ =	sdelay $0x4  }
0x94: {  	[tilespmem:$0xA5B0] =	vst v52  }
0x95: {  	v52 =	vld.idx.msk [tilespmem:v19+s10+$0x0], $0xffff;
	_ =	sdelay $0x4  }
0x96: {  	[tilespmem:$0xA9B0] =	vst v52  }
0x97: {  	v52 =	vld.idx.msk [tilespmem:v20+s8+$0x0], $0xffff;
	_ =	sdelay $0x4  }
0x98: {  	[tilespmem:$0xA5C0] =	vst v52  }
0x99: {  	v52 =	vld.idx.msk [tilespmem:v20+s10+$0x0], $0xffff;
	_ =	sdelay $0x4  }
0x9a: {  	[tilespmem:$0xA9C0] =	vst v52  }
0x9b: {  	v52 =	vld.idx.msk [tilespmem:v21+s8+$0x0], $0xffff;
	_ =	sdelay $0x4  }
0x9c: {  	[tilespmem:$0xA5D0] =	vst v52  }
0x9d: {  	v52 =	vld.idx.msk [tilespmem:v21+s10+$0x0], $0xffff;
	_ =	sdelay $0x4  }
0x9e: {  	[tilespmem:$0xA9D0] =	vst v52  }
0x9f: {  	v52 =	vld.idx.msk [tilespmem:v22+s8+$0x0], $0xffff;
	_ =	sdelay $0x4  }
0xa0: {  	[tilespmem:$0xA5E0] =	vst v52  }
0xa1: {  	v52 =	vld.idx.msk [tilespmem:v22+s10+$0x0], $0xffff;
	_ =	sdelay $0x4  }
0xa2: {  	[tilespmem:$0xA9E0] =	vst v52  }
0xa3: {  	v52 =	vld.idx.msk [tilespmem:v23+s8+$0x0], $0xffff;
	_ =	sdelay $0x4  }
0xa4: {  	[tilespmem:$0xA5F0] =	vst v52  }
0xa5: {  	v52 =	vld.idx.msk [tilespmem:v23+s10+$0x0], $0xffff;
	_ =	sdelay $0x4  }
0xa6: {  	[tilespmem:$0xA9F0] =	vst v52  }
0xa7: {  	v52 =	vld.idx.msk [tilespmem:v24+s8+$0x0], $0xffff;
	_ =	sdelay $0x4  }
0xa8: {  	[tilespmem:$0xA600] =	vst v52  }
0xa9: {  	v52 =	vld.idx.msk [tilespmem:v24+s10+$0x0], $0xffff;
	_ =	sdelay $0x4  }
0xaa: {  	[tilespmem:$0xAA00] =	vst v52  }
0xab: {  	v52 =	vld.idx.msk [tilespmem:v25+s8+$0x0], $0xffff;
	_ =	sdelay $0x4  }
0xac: {  	[tilespmem:$0xA610] =	vst v52  }
0xad: {  	v52 =	vld.idx.msk [tilespmem:v25+s10+$0x0], $0xffff;
	_ =	sdelay $0x4  }
0xae: {  	[tilespmem:$0xAA10] =	vst v52  }
0xaf: {  	v52 =	vld.idx.msk [tilespmem:v26+s8+$0x0], $0xffff;
	_ =	sdelay $0x4  }
0xb0: {  	[tilespmem:$0xA620] =	vst v52  }
0xb1: {  	v52 =	vld.idx.msk [tilespmem:v26+s10+$0x0], $0xffff;
	_ =	sdelay $0x4  }
0xb2: {  	[tilespmem:$0xAA20] =	vst v52  }
0xb3: {  	v52 =	vld.idx.msk [tilespmem:v27+s8+$0x0], $0xffff;
	_ =	sdelay $0x4  }
0xb4: {  	[tilespmem:$0xA630] =	vst v52  }
0xb5: {  	v52 =	vld.idx.msk [tilespmem:v27+s10+$0x0], $0xffff;
	_ =	sdelay $0x4  }
0xb6: {  	[tilespmem:$0xAA30] =	vst v52  }
0xb7: {  	v52 =	vld.idx.msk [tilespmem:v28+s8+$0x0], $0xffff;
	_ =	sdelay $0x4  }
0xb8: {  	[tilespmem:$0xA640] =	vst v52  }
0xb9: {  	v52 =	vld.idx.msk [tilespmem:v28+s10+$0x0], $0xffff;
	_ =	sdelay $0x4  }
0xba: {  	[tilespmem:$0xAA40] =	vst v52  }
0xbb: {  	v52 =	vld.idx.msk [tilespmem:v29+s8+$0x0], $0xffff;
	_ =	sdelay $0x4  }
0xbc: {  	[tilespmem:$0xA650] =	vst v52  }
0xbd: {  	v52 =	vld.idx.msk [tilespmem:v29+s10+$0x0], $0xffff;
	_ =	sdelay $0x4  }
0xbe: {  	[tilespmem:$0xAA50] =	vst v52  }
0xbf: {  	v52 =	vld.idx.msk [tilespmem:v30+s8+$0x0], $0xffff;
	_ =	sdelay $0x4  }
0xc0: {  	[tilespmem:$0xA660] =	vst v52  }
0xc1: {  	v52 =	vld.idx.msk [tilespmem:v30+s10+$0x0], $0xffff;
	_ =	sdelay $0x4  }
0xc2: {  	[tilespmem:$0xAA60] =	vst v52  }
0xc3: {  	v52 =	vld.idx.msk [tilespmem:v31+s8+$0x0], $0xffff;
	_ =	sdelay $0x4  }
0xc4: {  	[tilespmem:$0xA670] =	vst v52  }
0xc5: {  	v52 =	vld.idx.msk [tilespmem:v31+s10+$0x0], $0xffff;
	_ =	sdelay $0x4  }
0xc6: {  	[tilespmem:$0xAA70] =	vst v52  }
0xc7: {  	v52 =	vld.idx.msk [tilespmem:v32+s8+$0x0], $0xffff;
	_ =	sdelay $0x4  }
0xc8: {  	[tilespmem:$0xA680] =	vst v52  }
0xc9: {  	v52 =	vld.idx.msk [tilespmem:v32+s10+$0x0], $0xffff;
	_ =	sdelay $0x4  }
0xca: {  	[tilespmem:$0xAA80] =	vst v52  }
0xcb: {  	v52 =	vld.idx.msk [tilespmem:v33+s8+$0x0], $0xffff;
	_ =	sdelay $0x4  }
0xcc: {  	[tilespmem:$0xA690] =	vst v52  }
0xcd: {  	v52 =	vld.idx.msk [tilespmem:v33+s10+$0x0], $0xffff;
	_ =	sdelay $0x4  }
0xce: {  	[tilespmem:$0xAA90] =	vst v52  }
0xcf: {  	v52 =	vld.idx.msk [tilespmem:v34+s8+$0x0], $0xffff;
	_ =	sdelay $0x4  }
0xd0: {  	[tilespmem:$0xA6A0] =	vst v52  }
0xd1: {  	v52 =	vld.idx.msk [tilespmem:v34+s10+$0x0], $0xffff;
	_ =	sdelay $0x4  }
0xd2: {  	[tilespmem:$0xAAA0] =	vst v52  }
0xd3: {  	v52 =	vld.idx.msk [tilespmem:v35+s8+$0x0], $0xffff;
	_ =	sdelay $0x4  }
0xd4: {  	[tilespmem:$0xA6B0] =	vst v52  }
0xd5: {  	v52 =	vld.idx.msk [tilespmem:v35+s10+$0x0], $0xffff;
	_ =	sdelay $0x4  }
0xd6: {  	[tilespmem:$0xAAB0] =	vst v52  }
0xd7: {  	v52 =	vld.idx.msk [tilespmem:v38+s8+$0x0], $0xffff;
	_ =	sdelay $0x4  }
0xd8: {  	[tilespmem:$0xA6C0] =	vst v52  }
0xd9: {  	v52 =	vld.idx.msk [tilespmem:v38+s10+$0x0], $0xffff;
	_ =	sdelay $0x4  }
0xda: {  	[tilespmem:$0xAAC0] =	vst v52  }
0xdb: {  	v52 =	vld.idx.msk [tilespmem:v39+s8+$0x0], $0xffff;
	_ =	sdelay $0x4  }
0xdc: {  	[tilespmem:$0xA6D0] =	vst v52  }
0xdd: {  	v52 =	vld.idx.msk [tilespmem:v39+s10+$0x0], $0xffff;
	_ =	sdelay $0x4  }
0xde: {  	[tilespmem:$0xAAD0] =	vst v52  }
0xdf: {  	v52 =	vld.idx.msk [tilespmem:v47+s8+$0x0], $0xffff;
	_ =	sdelay $0x4  }
0xe0: {  	[tilespmem:$0xA6E0] =	vst v52  }
0xe1: {  	v52 =	vld.idx.msk [tilespmem:v47+s10+$0x0], $0xffff;
	_ =	sdelay $0x4  }
0xe2: {  	[tilespmem:$0xAAE0] =	vst v52  }
0xe3: {  	v52 =	vld.idx.msk [tilespmem:v60+s8+$0x0], $0xffff;
	_ =	sdelay $0x4  }
0xe4: {  	[tilespmem:$0xA6F0] =	vst v52  }
0xe5: {  	v52 =	vld.idx.msk [tilespmem:v60+s10+$0x0], $0xffff;
	_ =	sdelay $0x4  }
0xe6: {  	[tilespmem:$0xAAF0] =	vst v52  }
0xe7: {  	v52 =	vld.idx.msk [tilespmem:v62+s8+$0x0], $0xffff;
	_ =	sdelay $0x4  }
0xe8: {  	[tilespmem:$0xA700] =	vst v52  }
0xe9: {  	v52 =	vld.idx.msk [tilespmem:v62+s10+$0x0], $0xffff;
	_ =	sdelay $0x4  }
0xea: {  	[tilespmem:$0xAB00] =	vst v52  }
0xeb: {  	v52 =	vld.idx.msk [tilespmem:v36+s8+$0x0], $0xffff;
	_ =	sdelay $0x4  }
0xec: {  	[tilespmem:$0xA710] =	vst v52  }
0xed: {  	v52 =	vld.idx.msk [tilespmem:v36+s10+$0x0], $0xffff;
	_ =	sdelay $0x4  }
0xee: {  	[tilespmem:$0xAB10] =	vst v52  }
0xef: {  	v52 =	vld.idx.msk [tilespmem:v37+s8+$0x0], $0xffff;
	_ =	sdelay $0x4  }
0xf0: {  	[tilespmem:$0xA720] =	vst v52  }
0xf1: {  	v52 =	vld.idx.msk [tilespmem:v37+s10+$0x0], $0xffff;
	_ =	sdelay $0x4  }
0xf2: {  	[tilespmem:$0xAB20] =	vst v52  }
0xf3: {  	v52 =	vld.idx.msk [tilespmem:v41+s8+$0x0], $0xffff;
	_ =	sdelay $0x4  }
0xf4: {  	[tilespmem:$0xA730] =	vst v52  }
0xf5: {  	v52 =	vld.idx.msk [tilespmem:v41+s10+$0x0], $0xffff;
	_ =	sdelay $0x4  }
0xf6: {  	[tilespmem:$0xAB30] =	vst v52  }
0xf7: {  	v52 =	vld.idx.msk [tilespmem:v42+s8+$0x0], $0xffff;
	_ =	sdelay $0x4  }
0xf8: {  	[tilespmem:$0xA740] =	vst v52  }
0xf9: {  	v52 =	vld.idx.msk [tilespmem:v42+s10+$0x0], $0xffff;
	_ =	sdelay $0x4  }
0xfa: {  	[tilespmem:$0xAB40] =	vst v52  }
0xfb: {  	v52 =	vld.idx.msk [tilespmem:v43+s8+$0x0], $0xffff;
	_ =	sdelay $0x4  }
0xfc: {  	[tilespmem:$0xA750] =	vst v52  }
0xfd: {  	v52 =	vld.idx.msk [tilespmem:v43+s10+$0x0], $0xffff;
	_ =	sdelay $0x4  }
0xfe: {  	[tilespmem:$0xAB50] =	vst v52  }
0xff: {  	v52 =	vld.idx.msk [tilespmem:v44+s8+$0x0], $0xffff;
	_ =	sdelay $0x4  }
0x100: {  	[tilespmem:$0xA760] =	vst v52  }
0x101: {  	v52 =	vld.idx.msk [tilespmem:v44+s10+$0x0], $0xffff;
	_ =	sdelay $0x4  }
0x102: {  	[tilespmem:$0xAB60] =	vst v52  }
0x103: {  	v52 =	vld.idx.msk [tilespmem:v46+s8+$0x0], $0xffff;
	_ =	sdelay $0x4  }
0x104: {  	[tilespmem:$0xA770] =	vst v52  }
0x105: {  	v52 =	vld.idx.msk [tilespmem:v46+s10+$0x0], $0xffff;
	_ =	sdelay $0x4  }
0x106: {  	[tilespmem:$0xAB70] =	vst v52  }
0x107: {  	v52 =	vld.idx.msk [tilespmem:v51+s8+$0x0], $0xffff;
	_ =	sdelay $0x4  }
0x108: {  	[tilespmem:$0xA780] =	vst v52  }
0x109: {  	v52 =	vld.idx.msk [tilespmem:v51+s10+$0x0], $0xffff;
	_ =	sdelay $0x4  }
0x10a: {  	[tilespmem:$0xAB80] =	vst v52  }
0x10b: {  	v52 =	vld.idx.msk [tilespmem:v40+s8+$0x0], $0xffff;
	_ =	sdelay $0x4  }
0x10c: {  	[tilespmem:$0xA790] =	vst v52  }
0x10d: {  	v52 =	vld.idx.msk [tilespmem:v40+s10+$0x0], $0xffff;
	_ =	sdelay $0x4  }
0x10e: {  	[tilespmem:$0xAB90] =	vst v52  }
0x10f: {  	v52 =	vld.idx.msk [tilespmem:v48+s8+$0x0], $0xffff;
	_ =	sdelay $0x4  }
0x110: {  	[tilespmem:$0xA7A0] =	vst v52  }
0x111: {  	v52 =	vld.idx.msk [tilespmem:v48+s10+$0x0], $0xffff;
	_ =	sdelay $0x4  }
0x112: {  	[tilespmem:$0xABA0] =	vst v52  }
0x113: {  	v52 =	vld.idx.msk [tilespmem:v49+s8+$0x0], $0xffff;
	_ =	sdelay $0x4  }
0x114: {  	[tilespmem:$0xA7B0] =	vst v52  }
0x115: {  	v52 =	vld.idx.msk [tilespmem:v49+s10+$0x0], $0xffff;
	_ =	sdelay $0x3  }
0x116: {  	v45 =	vld [tilespmem:$0x1FF50]  }
0x117: {  	v59 =	vld [tilespmem:$0x1FF60];
	[tilespmem:$0xABB0] =	vst v52  }
0x118: {  	v52 =	vld.idx.msk [tilespmem:v50+s8+$0x0], $0xffff;
	_ =	sdelay $0x4  }
0x119: {  	[tilespmem:$0xA7C0] =	vst v52;
	v52 =	vsel vm0, v59, v45;
	v59 =	vld [tilespmem:$0x1FFC0];
	_ =	sdelay $0x4  }
0x11a: {  	v45 =	vld.idx.msk [tilespmem:v50+s10+$0x0], $0xffff;
	v52 =	vcombine.low v52, v59;
	_ =	sdelay $0x4  }
0x11b: {  	[tilespmem:$0xABC0] =	vst v45  }
0x11c: {  	v45 =	vld.idx.msk [tilespmem:v52+s8+$0x0], $0xffff;
	_ =	sdelay $0x3  }
0x11d: {  	v59 =	vld [tilespmem:$0x1FF80]  }
0x11e: {  	[tilespmem:$0xA7D0] =	vst v45;
	v45 =	vld [tilespmem:$0x1FF70];
	_ =	sdelay $0x4  }
0x11f: {  	v45 =	vsel vm0, v59, v45;
	v59 =	vld [tilespmem:$0x1FFD0];
	_ =	sdelay $0x4  }
0x120: {  	v52 =	vld.idx.msk [tilespmem:v52+s10+$0x0], $0xffff;
	v45 =	vcombine.low v45, v59;
	_ =	sdelay $0x4  }
0x121: {  	[tilespmem:$0xABD0] =	vst v52  }
0x122: {  	v52 =	vld.idx.msk [tilespmem:v45+s8+$0x0], $0xffff;
	_ =	sdelay $0x3  }
0x123: {  	v59 =	vld [tilespmem:$0x1FFA0]  }
0x124: {  	[tilespmem:$0xA7E0] =	vst v52;
	v52 =	vld [tilespmem:$0x1FF90];
	_ =	sdelay $0x4  }
0x125: {  	v52 =	vsel vm0, v59, v52;
	v59 =	vld [tilespmem:$0x1FFF0];
	_ =	sdelay $0x4  }
0x126: {  	v45 =	vld.idx.msk [tilespmem:v45+s10+$0x0], $0xffff;
	v52 =	vcombine.low v52, v59;
	_ =	sdelay $0x4  }
0x127: {  	[tilespmem:$0xABE0] =	vst v45  }
0x128: {  	v45 =	vld.idx.msk [tilespmem:v52+s8+$0x0], $0xffff;
	_ =	sdelay $0x3  }
0x129: {  	v59 =	vld [tilespmem:$0x1FFB0]  }
0x12a: {  	[tilespmem:$0xA7F0] =	vst v45;
	v45 =	vld [tilespmem:$0x1FFE0];
	_ =	sdelay $0x4  }
0x12b: {  	v45 =	vsel vm0, v45, v59  }
0x12c: {  	v52 =	vld.idx.msk [tilespmem:v52+s10+$0x0], $0xffff;
	v45 =	vcombine.low v45, v63;
	_ =	sdelay $0x4  }
0x12d: {  	[tilespmem:$0xABF0] =	vst v52  }
0x12e: {  	v52 =	vld.idx.msk [tilespmem:v45+s8+$0x0], $0xffff;
	_ =	sdelay $0x4  }
0x12f: {  	[tilespmem:$0xA800] =	vst v52  }
0x130: {  	v45 =	vld.idx.msk [tilespmem:v45+s10+$0x0], $0xffff;
	_ =	sdelay $0x4  }
0x131: {  	[tilespmem:$0xAC00] =	vst v45  }
0x132: {  	v45 =	vld.idx.msk [tilespmem:v53+s8+$0x0], $0xffff;
	_ =	sdelay $0x4  }
0x133: {  	[tilespmem:$0xA810] =	vst v45  }
0x134: {  	v45 =	vld.idx.msk [tilespmem:v53+s10+$0x0], $0xffff;
	_ =	sdelay $0x4  }
0x135: {  	[tilespmem:$0xAC10] =	vst v45  }
0x136: {  	v45 =	vld.idx.msk [tilespmem:v54+s8+$0x0], $0xffff;
	_ =	sdelay $0x4  }
0x137: {  	[tilespmem:$0xA820] =	vst v45  }
0x138: {  	v45 =	vld.idx.msk [tilespmem:v54+s10+$0x0], $0xffff;
	_ =	sdelay $0x4  }
0x139: {  	[tilespmem:$0xAC20] =	vst v45  }
0x13a: {  	v45 =	vld.idx.msk [tilespmem:v55+s8+$0x0], $0xffff;
	_ =	sdelay $0x4  }
0x13b: {  	[tilespmem:$0xA830] =	vst v45  }
0x13c: {  	v45 =	vld.idx.msk [tilespmem:v55+s10+$0x0], $0xffff;
	_ =	sdelay $0x4  }
0x13d: {  	[tilespmem:$0xAC30] =	vst v45  }
0x13e: {  	v45 =	vld.idx.msk [tilespmem:v56+s8+$0x0], $0xffff;
	_ =	sdelay $0x4  }
0x13f: {  	[tilespmem:$0xA840] =	vst v45  }
0x140: {  	v45 =	vld.idx.msk [tilespmem:v56+s10+$0x0], $0xffff;
	_ =	sdelay $0x4  }
0x141: {  	[tilespmem:$0xAC40] =	vst v45  }
0x142: {  	v45 =	vld.idx.msk [tilespmem:v57+s8+$0x0], $0xffff;
	_ =	sdelay $0x4  }
0x143: {  	[tilespmem:$0xA850] =	vst v45  }
0x144: {  	v45 =	vld.idx.msk [tilespmem:v57+s10+$0x0], $0xffff;
	_ =	sdelay $0x4  }
0x145: {  	[tilespmem:$0xAC50] =	vst v45  }
0x146: {  	v45 =	vld.idx.msk [tilespmem:v58+s8+$0x0], $0xffff;
	_ =	sdelay $0x4  }
0x147: {  	[tilespmem:$0xA860] =	vst v45  }
0x148: {  	v45 =	vld.idx.msk [tilespmem:v58+s10+$0x0], $0xffff;
	_ =	sdelay $0x4  }
0x149: {  	[tilespmem:$0xAC60] =	vst v45  }
0x14a: {  	v45 =	vld.idx.msk [tilespmem:v61+s8+$0x0], $0xffff;
	_ =	sdelay $0x4  }
0x14b: {  	[tilespmem:$0xA870] =	vst v45  }
0x14c: {  	v45 =	vld.idx.msk [tilespmem:v61+s10+$0x0], $0xffff;
	_ =	sdelay $0x2  }
0x14d: {  	s7 =	sadd.s32 $0xFFFFFFFF, s7;
	v59 =	vimm.f32 $1.000000000e+00  }
0x14e: {  	p1 =	sne.s32 s7, $0x0;
	[tilespmem:$0x0] =	vst v59  }
.Ltmp0:
0x14f: {  	[tilespmem:$0xAC70] =	vst v45;
	(pc) =	sbr.rel @p1 .LBB2_1-.Ltmp0, $4  }
0x150: {  	[hbm4b:s6+s3] =	stream.linear.scatter [tilespmem:s3], [sflag:$0x1], $0x4000, $0x38;
	[tilespmem:$0xBC20] =	vst v63  }
0x151: {  	_ =	swait.ge [sflag:s13], $0x4000  }
0x152: {  	[sflag:s13] =	ssyncset.done $0x0  }
0x153: {  	[sflag:s13] =	ssyncadd.s32 $0xFFFFC000  }
0x154: {  	_ =	sfence.sel $0x180000  }
0x155: {  	[bflag:$0x0] =	sbarrier.arrive $0xFFFF  }
0x156: {  	_ =	strace $0x90000047  }
0x157: {  	s0 =	sadd.s32 @!p0 $0x100000, s2;
	[bflag:$0x2] =	sbarrier.arrive $0xFFFF  }
0x158: {  	[sflag:s0] =	ssyncadd.tile.s32 @!p0 $0x1;
	_ =	shalt  }
.Lfunc_end2:
_tile_overlayer_lowered:
.L_overlay_start_2:
0x159: {  	(tag) =	ssettag $0x2  }
0x15a: {  	s0 =	rddreg [dreg:$0x0];
	s2 =	stileid.u32  }
0x15b: {  	s1 =	rddreg [dreg:$0x1];
	p0 =	sne.s32 s2, $0x0  }
0x15c: {  	s3 =	rddreg [dreg:$0x2];
	[bflag:$0x3] =	sbarrier.arrive $0xFFFF;
	s2 =	simm.s32 @!p0 $0x1C02  }
0x15d: {  	[timem:s3], [sflag:s2] =	dma.local @!p0 [hbm:s0], s1  }
0x15e: {  	s0 =	simm.s32 @!p0 $0x2  }
0x15f: {  	_ =	swait.ge @!p0 [sflag:s0], s1  }
0x160: {  	s1 =	ssub.s32 @!p0 $0x0, s1;
	[sflag:s0] =	ssyncset.done @!p0 $0x0  }
0x161: {  	[sflag:s0] =	ssyncadd.s32 @!p0 s1  }
0x162: {  	[bflag:$0x3] =	sbarrier.arrive $0xFFFF  }
0x163: {  	_ =	shalt  }

// kernel: sparse-core-data-format-call.1.cloned.1.call-start
scs
called_computation.1_lowered:
.L_overlay_start_0:
0x0: {  	s2 =	sld [smem:$0x3FD9]  }
0x1: {  	s3 =	sld [smem:$0x3FFE];
	_ =	sdelay $0x1  }
0x2: {  	s1 =	srdreg.scid  }
0x3: {  	s0 =	sand.u32 $0x1, s1  }
0x4: {  	s15 =	sshll.u32 s0, $0xA;
	s2 =	sadd.s32 s3, s2  }
0x5: {  	s2 =	sadd.s32 s2, s15  }
0x6: {  	[smem:$0x3FBE] =	sst s2  }
0x7: {  	_ = 	snop  }
0x8: {  	s2 =	sld [smem:$0x3FD0];
	_ =	sdelay $0x2  }
0x9: {  	s16 =	simm.s32 $0xB;
	s4 =	simm.s32 $0x10  }
0xa: {  	[smem:s4], [sflag:s16] =	dma.local [hbm:s2], $0x1  }
0xb: {  	_ =	swait.eq [sflag:s16], $0x1  }
0xc: {  	[sflag:s16] =	ssyncset.done $0x0  }
0xd: {  	[sflag:s16] =	ssyncadd.s32 $0xFFFFFFFF  }
0xe: {  	s17 =	sld [smem:$0x10];
	(tm) =	ssettm $0x1  }
0xf: {  	s18 =	sld [smem:$0x3FFB];
	_ =	sdelay $0x3  }
0x10: {  	_ =	strace s18  }
0x11: {  	s3 =	sld [smem:$0x3FFC];
	_ =	sdelay $0x3  }
0x12: {  	_ =	strace s3  }
0x13: {  	s3 =	sld [smem:$0x3FFD];
	_ =	sdelay $0x3  }
0x14: {  	_ =	strace s3  }
0x15: {  	_ =	strace $0x8FFFFFFF  }
0x16: {  	s19 =	sld [smem:$0x3FDB];
	_ =	sdelay $0x1  }
0x17: {  	s20 =	simm.s32 $_scs_section_size  }
0x18: {  	s5 =	simm.s32 $_size__tile_overlayer_lowered;
	s6 =	simm.s32 $_tile_overlayer_lowered  }
0x19: {  	s23 =	simm.s32 $0x1BFF;
	s22 =	sshll.u32 s6, $0x1;
	s3 =	sadd.s32 s20, s19  }
0x1a: {  	s7 =	simm.s32 $0x0;
	s21 =	sshll.u32 s5, $0x1;
	s5 =	sadd.s32 s22, s3  }
0x1b: {  	[timem:s7], [sflag:s23] =	dma.local [hbm:s5], s21  }
0x1c: {  	_ =	swait.ge [sflag:s23], s21  }
0x1d: {  	s4 =	ssub.s32 $0x0, s21;
	[sflag:s23] =	ssyncset.done $0x0  }
0x1e: {  	[sflag:s23] =	ssyncadd.s32 s4;
	_ =	sdelay $0x1  }
0x1f: {  	s24 =	simm.s32 $0x1B8B  }
0x20: {  	_ =	swait.ge [sflag:s24], $0x1  }
0x21: {  	[sflag:s24] =	ssyncset.done $0x0  }
0x22: {  	s26 =	simm.s32 $0x1B8E;
	s25 =	sld [smem:$0x3FFE];
	[sflag:s24] =	ssyncadd.s32 $0xFFFFFFFF  }
0x23: {  	s27 =	simm.s32 $execute0_lowered;
	[smem:$0x3FD2] =	sst s26  }
0x24: {  	s5 =	sshll.u32 s27, $0x1;
	_ =	strace $0x80000049;
	[dreg:$0x1] =	wrdreg $0xFFFFFFFF  }
0x25: {  	s28 =	simm.s32 $_size_execute0_lowered;
	s3 =	sadd.s32 s3, s5;
	[dreg:$0x0] =	wrdreg $0x0  }
0x26: {  	s5 =	sshll.u32 s28, $0x1;
	[dreg:$0x2] =	wrdreg s3  }
0x27: {  	[dreg:$0x3] =	wrdreg s5  }
0x28: {  	[dreg:$0x4] =	wrdreg $0xC0  }
0x29: {  	_ =	task [dreg:s7], $0x5FFFF  }
0x2a: {  	[dreg:$0x1] =	wrdreg $0xFFFFFFFF  }
0x2b: {  	[dreg:$0x0] =	wrdreg $0x60  }
0x2c: {  	[dreg:$0x2] =	wrdreg s25  }
0x2d: {  	[dreg:$0x3] =	wrdreg s17  }
0x2e: {  	[dreg:$0x4] =	wrdreg $0xA  }
0x2f: {  	_ =	task.clear_ibuf [dreg:s7], $0x5FFFF;
	_ =	strace $0x90000049  }
0x30: {  	s29 =	simm.s32 $0xA;
	_ =	strace $0x8000004B  }
0x31: {  	_ =	swait.ge [sflag:s29], $0x1  }
0x32: {  	[sflag:s29] =	ssyncadd.s32 $0xFFFFFFFF  }
0x33: {  	_ =	strace $0x9000004B  }
0x34: {  	_ =	sfence  }
0x35: {  	s30 =	sld [smem:$0x0];
	_ =	sdelay $0x2  }
0x36: {  	s31 =	sshll.u32 s1, $0xD;
	s1 =	sshrl.u32 s1, $0x2  }
0x37: {  	s3 =	sand.u32 $0x4000, s31;
	s1 =	sadd.s32 s1, s30  }
0x38: {  	s0 =	sor.u32 s3, s0;
	s1 =	sshll.u32 s1, $0x11  }
0x39: {  	s0 =	sor.u32 s1, s0  }
0x3a: {  	s0 =	sadd.s32 $0x8F2B, s0  }
0x3b: {  	[sflag:s0] =	ssyncadd.remote.s32 $0x1  }
0x3c: {  	_ =	sfence.sel $0xFFFF  }
0x3d: {  	[dreg:$0x0] =	wrdreg $0xFFFFFFFF;
	(pc) =	sbr.abs _section_cstart, $3  }
0x3e: {  	[dreg:$0x1] =	wrdreg $0xFFFFFFFF  }
0x3f: {  	_ =	task.clear_ibuf [dreg:s7], $0x2FFFF;
	_ =	strace $0x9FFFFFFF  }
0x40: {  	(tm) =	ssettm $0x7FFFFFFF  }
0x41: {  	_ =	shalt  }
tec
execute0_lowered:
.L_overlay_start_1:
0x0: {  	(tag) =	ssettag $0x1  }
0x1: {  	s0 =	srdreg.scid  }
0x2: {  	s1 =	sshll.u32 s0, $0x4  }
0x3: {  	s0 =	stileid.u32;
	s1 =	sand.u32 $0x10, s1  }
0x4: {  	s1 =	sor.u32 s0, s1  }
0x5: {  	s6 =	rddreg [dreg:$0x0];
	s4 =	simm.s32 $0x1;
	s2 =	sshll.u32 s1, $0x7  }
0x6: {  	s7 =	simm.s32 $0x2;
	s12 =	simm.s32 $0x0;
	s1 =	ssub.s32 $0x1000, s2  }
0x7: {  	s8 =	simm.s32 $0x8000;
	s13 =	simm.s32 $0x0;
	s3 =	sand.u32 $0xF80, s1  }
0x8: {  	s9 =	simm.s32 $0x0;
	s5 =	sshrl.u32 s1, $0xC;
	p0 =	sne.s32 s3, $0x0  }
.Ltmp0:
0x9: {  	s1 =	rddreg [dreg:$0x2];
	s4 =	simm.s32 @!p0 $0x0;
	(pc) =	sbr.rel .LBB1_1-.Ltmp0, $4  }
0xa: {  	s11 =	simm.s32 $0x0;
	s3 =	rddreg [dreg:$0x1];
	s5 =	sadd.s32 s4, s5  }
0xb: {  	_ =	strace $0x8000004A;
	s4 =	simm.s32 $0x1;
	s5 =	smul.u32 $0xC8, s5  }
0xc: {  	s6 =	sadd.s32 $0x2000, s6;
	s10 =	smov.u32 s2;
	[sflag:s4] =	ssyncpa.u1 $0x0  }
0xd: {  	p0 =	por $0x0, $0x0;
	[sflag:s7] =	ssyncpa.u1 $0x0;
	s7 =	sor.u32 $0x1, s5  }
.LBB1_4:
0xe: {  	s16 =	sshll.u32 s13, $0x3;
	s17 =	sand.u32 $0x78, s13  }
0xf: {  	s30 =	sand.u32 $0x7E00, s13;
	s12 =	sshll.u32 s12, $0xF;
	s16 =	sand.u32 $0xC00, s16  }
0x10: {  	[tilespmem:s15+$0x810 ss:$0x81] =	vst.msk $0xffff, v2;
	s31 =	sand.u32 $0x7, s13;
	s16 =	sor.u32 s17, s16;
	s17 =	sadd.s32 s3, s30  }
0x11: {  	[tilespmem:s15+$0x1020 ss:$0x81] =	vst.msk $0xffff, v0;
	s13 =	sshll.u32 s31, $0x12;
	s12 =	sadd.s32 s12, s17;
	s16 =	sshrl.u32 s16, $0x3  }
0x12: {  	[tilespmem:s15+$0x0 ss:$0x81] =	vst.msk $0xffff, v1;
	s13 =	sor.u32 $0x400, s13;
	s12 =	sadd.s32 s16, s12  }
0x13: {  	[hbm4b:s12+s13] =	stream.strided.scatter [tilespmem:s14], [sflag:$0x2], $0x2000, s8, s13, $0x20;
	[tilespmem:$0x8080] =	vst v63  }
.LBB1_5:
0x14: {  	s14 =	sadd.s32 $0x1, s9  }
0x15: {  	s12 =	sadd.s32 $0x1000, s10;
	s16 =	smov.u32 s10;
	p2 =	sgt.s32 s14, $0xC7  }
0x16: {  	s16 =	smov.u32 @p2 s12  }
0x17: {  	s14 =	simm.s32 @p2 $0x0;
	p2 =	sgt.s32 s16, $0xFFF  }
0x18: {  	s16 =	smov.u32 @p2 s2;
	p2 =	sne.s32 s11, s7  }
.Ltmp1:
0x19: {  	p1 =	slt.u32 s11, $0x2;
	(pc) =	sbr.rel @!p2 .LBB1_6-.Ltmp1, $4  }
0x1a: {  	s15 =	simm.s32 @!p1 $0x2  }
0x1b: {  	s13 =	smov.u32 s10;
	p0 =	por !p0, !p0;
	_ =	swait.ge @!p1 [sflag:s15], $0x2000  }
0x1c: {  	s12 =	smov.u32 s9;
	[sflag:s15] =	ssyncset.done @!p1 $0x0;
	s9 =	smov.u32 s14  }
0x1d: {  	s11 =	sadd.s32 $0x1, s11;
	[sflag:s15] =	ssyncadd.s32 @!p1 $0xFFFFE000;
	s10 =	smov.u32 s16  }
.LBB1_1:
0x1e: {  	p1 =	sge.u32 s11, s5  }
0x1f: {  	s14 =	sand.u32 @!p1 $0x1FFFFFF, s9  }
0x20: {  	s15 =	smulhi.u32 @!p1 $0x147AE15, s14;
	_ =	sdelay $0x1  }
0x21: {  	s15 =	smul.u32 @!p1 $0xC8, s15  }
0x22: {  	s16 =	sxor.u32 @!p1 $0xFFFFFFFF, s11;
	s17 =	smul.u32 @!p1 $0xC80, s10  }
0x23: {  	s31 =	sadd.s32 $0xFFFFFFFF, s11;
	s16 =	sshll.u32 @!p1 s16, $0xD;
	s14 =	ssub.s32 @!p1 s14, s15  }
0x24: {  	s15 =	sand.u32 @!p1 $0x2000, s16;
	s16 =	sadd.s32 @!p1 s6, s17;
	s14 =	sshll.u32 @!p1 s14, $0x4  }
0x25: {  	s17 =	simm.s32 @!p1 $0x6400;
	s14 =	sadd.s32 @!p1 s14, s16;
	s16 =	simm.s32 @!p1 $0x40  }
0x26: {  	[tilespmem:s15], [sflag:$0x1] =	stream.strided.gather @!p1 [hbm4b:s14+s16], $0x2000, s17, s16, $0x38;
	[tilespmem:$0x8080] =	vst v63  }
0x27: {  	p1 =	sge.u32 s31, s5  }
.Ltmp2:
0x28: {  	_ = 	snop;
	(pc) =	sbr.rel @p1 .LBB1_5-.Ltmp2, $1  }
0x29: {  	_ =	sdelay $0x3  }
0x2a: {  	s14 =	simm.s32 $0x1  }
0x2b: {  	_ =	swait.ge [sflag:s4], $0x2000;
	s14 =	simm.s32 @!p0 $0x0  }
0x2c: {  	[sflag:s4] =	ssyncset.done $0x0;
	s15 =	sshll.u32 s14, $0xD  }
0x2d: {  	[sflag:s4] =	ssyncadd.s32 $0xFFFFE000;
	s18 =	sor.u32 $0x20, s15  }
0x2e: {  	s14 =	smul.u32 $0x8100, s14;
	v3 =	vld [tilespmem:s18+$0x10]  }
0x2f: {  	s30 =	sand.u32 $0x1, s11;
	v2 =	vld [tilespmem:s18+$0xFFFFFFF0]  }
0x30: {  	s15 =	smul.u32 $0x8100, s30;
	s14 =	sshrl.u32 s14, $0x2;
	v0 =	vld [tilespmem:s18+$0x0]  }
0x31: {  	v1 =	vld [tilespmem:s18+$0xFFFFFFE0];
	s16 =	sor.u32 $0x4000, s14  }
0x32: {  	s31 =	sshrl.u32 s15, $0x2;
	s15 =	sadd.s32 $0x0, s16  }
0x33: {  	s17 =	simm.s32 $0x4;
	s18 =	sadd.s32 $0x40, s18;
	s14 =	sor.u32 $0x4000, s31;
	[tilespmem:s15+$0x1830 ss:$0x81] =	vst.msk $0xffff, v3  }
.LBB1_3:
0x34: {  	v3 =	vld [tilespmem:s18+$0x10];
	p1 =	sne.s32 s17, $0x1FC;
	[tilespmem:s15+$0x810 ss:$0x81] =	vst.msk $0xffff, v2;
	s19 =	smov.u32 s17;
	s17 =	sadd.s32 $0x4, s17  }
.Ltmp3:
0x35: {  	v2 =	vld [tilespmem:s18+$0xFFFFFFF0];
	[tilespmem:s15+$0x1020 ss:$0x81] =	vst.msk $0xffff, v0;
	(pc) =	sbr.rel @p1 .LBB1_3-.Ltmp3, $4  }
0x36: {  	v0 =	vld [tilespmem:s18+$0x0];
	[tilespmem:s15+$0x0 ss:$0x81] =	vst.msk $0xffff, v1  }
0x37: {  	s15 =	sshra.s32 s19, $0x2;
	v1 =	vld [tilespmem:s18+$0xFFFFFFE0]  }
0x38: {  	s15 =	sadd.s32 s15, s16  }
0x39: {  	s18 =	sadd.s32 $0x40, s18;
	[tilespmem:s15+$0x1830 ss:$0x81] =	vst.msk $0xffff, v3  }
.Ltmp4:
0x3a: {  	_ = 	snop;
	(pc) =	sbr.rel .LBB1_4-.Ltmp4, $1  }
0x3b: {  	_ =	sdelay $0x3  }
.LBB1_6:
0x3c: {  	_ =	sfence.sel $0x180000  }
0x3d: {  	s2 =	simm.s32 $0x1;
	[bflag:$0x0] =	sbarrier.arrive $0xFFFF  }
0x3e: {  	s31 =	simm.s32 $0x2;
	[sflag:s2] =	ssyncpa.u1 $0x1  }
0x3f: {  	[sflag:s31] =	ssyncpa.u1 $0x1  }
0x40: {  	p0 =	sne.s32 s0, $0x0;
	_ =	strace $0x9000004A  }
0x41: {  	s0 =	sadd.s32 @!p0 $0x100000, s1;
	[bflag:$0x2] =	sbarrier.arrive $0xFFFF  }
0x42: {  	[sflag:s0] =	ssyncadd.tile.s32 @!p0 $0x1;
	_ =	shalt  }
.Lfunc_end1:
_tile_overlayer_lowered:
.L_overlay_start_2:
0x43: {  	(tag) =	ssettag $0x2  }
0x44: {  	s0 =	rddreg [dreg:$0x0];
	s2 =	stileid.u32  }
0x45: {  	s1 =	rddreg [dreg:$0x1];
	p0 =	sne.s32 s2, $0x0  }
0x46: {  	s3 =	rddreg [dreg:$0x2];
	[bflag:$0x3] =	sbarrier.arrive $0xFFFF;
	s2 =	simm.s32 @!p0 $0x1C01  }
0x47: {  	[timem:s3], [sflag:s2] =	dma.local @!p0 [hbm:s0], s1  }
0x48: {  	s0 =	simm.s32 @!p0 $0x1  }
0x49: {  	_ =	swait.ge @!p0 [sflag:s0], s1  }
0x4a: {  	s1 =	ssub.s32 @!p0 $0x0, s1;
	[sflag:s0] =	ssyncset.done @!p0 $0x0  }
0x4b: {  	[sflag:s0] =	ssyncadd.s32 @!p0 s1  }
0x4c: {  	[bflag:$0x3] =	sbarrier.arrive $0xFFFF  }
0x4d: {  	_ =	shalt  }

// kernel: sparse-core-data-format-call.cloned.1.call-start
scs
called_computation_lowered:
.L_overlay_start_0:
0x0: {  	s2 =	sld [smem:$0x3FD9]  }
0x1: {  	s3 =	sld [smem:$0x3FFE];
	_ =	sdelay $0x1  }
0x2: {  	s1 =	srdreg.scid  }
0x3: {  	s0 =	sand.u32 $0x1, s1  }
0x4: {  	s16 =	sshll.u32 s0, $0xA;
	s2 =	sadd.s32 s3, s2  }
0x5: {  	s2 =	sadd.s32 s2, s16  }
0x6: {  	[smem:$0x3FBE] =	sst s2  }
0x7: {  	_ = 	snop  }
0x8: {  	s2 =	sld [smem:$0x3FD0];
	_ =	sdelay $0x2  }
0x9: {  	s17 =	simm.s32 $0xB;
	s4 =	simm.s32 $0x10  }
0xa: {  	[smem:s4], [sflag:s17] =	dma.local [hbm:s2], $0x1  }
0xb: {  	_ =	swait.eq [sflag:s17], $0x1  }
0xc: {  	[sflag:s17] =	ssyncset.done $0x0  }
0xd: {  	[sflag:s17] =	ssyncadd.s32 $0xFFFFFFFF  }
0xe: {  	s18 =	sld [smem:$0x11];
	(tm) =	ssettm $0x1  }
0xf: {  	s19 =	sld [smem:$0x3FFB];
	_ =	sdelay $0x3  }
0x10: {  	_ =	strace s19  }
0x11: {  	s2 =	sld [smem:$0x3FFC];
	_ =	sdelay $0x3  }
0x12: {  	_ =	strace s2  }
0x13: {  	s2 =	sld [smem:$0x3FFD];
	_ =	sdelay $0x3  }
0x14: {  	_ =	strace s2  }
0x15: {  	_ =	strace $0x8FFFFFFF  }
0x16: {  	s20 =	sld [smem:$0x3FDB];
	_ =	sdelay $0x1  }
0x17: {  	s21 =	simm.s32 $_scs_section_size  }
0x18: {  	s5 =	simm.s32 $_size__tile_overlayer_lowered;
	s6 =	simm.s32 $_tile_overlayer_lowered  }
0x19: {  	s7 =	simm.s32 $0x1BFF;
	s22 =	sshll.u32 s6, $0x1;
	s4 =	sadd.s32 s21, s20  }
0x1a: {  	s23 =	simm.s32 $0x0;
	s5 =	sshll.u32 s5, $0x1;
	s6 =	sadd.s32 s22, s4  }
0x1b: {  	[timem:s23], [sflag:s7] =	dma.local [hbm:s6], s5  }
0x1c: {  	_ =	swait.ge [sflag:s7], s5  }
0x1d: {  	s5 =	ssub.s32 $0x0, s5;
	[sflag:s7] =	ssyncset.done $0x0  }
0x1e: {  	[sflag:s7] =	ssyncadd.s32 s5;
	_ =	sdelay $0x1  }
0x1f: {  	s24 =	simm.s32 $0x1B8B  }
0x20: {  	_ =	swait.ge [sflag:s24], $0x1  }
0x21: {  	[sflag:s24] =	ssyncset.done $0x0  }
0x22: {  	[sflag:s24] =	ssyncadd.s32 $0xFFFFFFFF  }
0x23: {  	s5 =	sld [smem:$0x0]  }
0x24: {  	s6 =	sand.u32 $0xFFFFFFFE, s1  }
0x25: {  	p0 =	sne.s32 s1, s6  }
0x26: {  	s6 =	sshll.u32 @p0 s6, $0xE  }
0x27: {  	s6 =	sadd.s32 @p0 $0x11B8D, s6;
	s7 =	sshll.u32 @p0 s5, $0x11  }
0x28: {  	s6 =	sor.u32 @p0 s7, s6  }
0x29: {  	[sflag:s6] =	ssyncadd.remote.s32 @p0 $0x1;
	_ =	sdelay $0x1  }
0x2a: {  	s6 =	simm.s32 @p0 $0x1B8D  }
0x2b: {  	_ =	swait.eq @p0 [sflag:s6], $0x1  }
0x2c: {  	[sflag:s6] =	ssyncadd.s32 @p0 $0xFFFFFFFF  }
0x2d: {  	s7 =	sshll.u32 @!p0 s1, $0xE  }
0x2e: {  	s7 =	sor.u32 @!p0 $0x4000, s7;
	s6 =	simm.s32 @!p0 $0x1B8D  }
0x2f: {  	s5 =	sshll.u32 @!p0 s5, $0x11;
	s7 =	sadd.s32 @!p0 $0x11B8D, s7;
	_ =	swait.eq @!p0 [sflag:s6], $0x1  }
0x30: {  	s5 =	sor.u32 @!p0 s5, s7;
	[sflag:s6] =	ssyncadd.s32 @!p0 $0xFFFFFFFF  }
0x31: {  	s26 =	simm.s32 $0x1B8E;
	s25 =	sld [smem:$0x3FFE];
	[sflag:s5] =	ssyncadd.remote.s32 @!p0 $0x1  }
0x32: {  	s27 =	simm.s32 $execute0_lowered;
	[smem:$0x3FD2] =	sst s26  }
0x33: {  	s6 =	sshll.u32 s27, $0x1;
	_ =	strace $0x8000004C;
	[dreg:$0x1] =	wrdreg $0xFFFFFFFF  }
0x34: {  	s28 =	simm.s32 $_size_execute0_lowered;
	s4 =	sadd.s32 s4, s6;
	[dreg:$0x0] =	wrdreg $0x0  }
0x35: {  	s6 =	sshll.u32 s28, $0x1;
	[dreg:$0x2] =	wrdreg s4  }
0x36: {  	[dreg:$0x3] =	wrdreg s6  }
0x37: {  	[dreg:$0x4] =	wrdreg $0xC0  }
0x38: {  	_ =	task [dreg:s23], $0x5FFFF  }
0x39: {  	[dreg:$0x1] =	wrdreg $0xFFFFFFFF  }
0x3a: {  	[dreg:$0x0] =	wrdreg $0x60  }
0x3b: {  	[dreg:$0x2] =	wrdreg s25  }
0x3c: {  	[dreg:$0x3] =	wrdreg s18  }
0x3d: {  	[dreg:$0x4] =	wrdreg $0x9  }
0x3e: {  	_ =	task.clear_ibuf [dreg:s23], $0x5FFFF;
	_ =	strace $0x9000004C  }
0x3f: {  	s29 =	simm.s32 $0x9;
	_ =	strace $0x8000004E  }
0x40: {  	_ =	swait.ge [sflag:s29], $0x1  }
0x41: {  	[sflag:s29] =	ssyncadd.s32 $0xFFFFFFFF  }
0x42: {  	_ =	strace $0x9000004E  }
0x43: {  	_ =	sfence  }
0x44: {  	s30 =	sld [smem:$0x0];
	_ =	sdelay $0x2  }
0x45: {  	s31 =	sshll.u32 s1, $0xD;
	s1 =	sshrl.u32 s1, $0x2  }
0x46: {  	s4 =	sand.u32 $0x4000, s31;
	s1 =	sadd.s32 s1, s30  }
0x47: {  	s0 =	sor.u32 s4, s0;
	s1 =	sshll.u32 s1, $0x11  }
0x48: {  	s0 =	sor.u32 s1, s0  }
0x49: {  	s0 =	sadd.s32 $0x8F2B, s0  }
0x4a: {  	[sflag:s0] =	ssyncadd.remote.s32 $0x1  }
0x4b: {  	_ =	sfence.sel $0xFFFF  }
0x4c: {  	[dreg:$0x0] =	wrdreg $0xFFFFFFFF;
	(pc) =	sbr.abs _section_cstart, $3  }
0x4d: {  	[dreg:$0x1] =	wrdreg $0xFFFFFFFF  }
0x4e: {  	_ =	task.clear_ibuf [dreg:s23], $0x2FFFF;
	_ =	strace $0x9FFFFFFF  }
0x4f: {  	(tm) =	ssettm $0x7FFFFFFF  }
tec
execute0_lowered:
.L_overlay_start_1:
0x0: {  	(tag) =	ssettag $0x1  }
0x1: {  	s0 =	srdreg.scid  }
0x2: {  	s1 =	sshll.u32 s0, $0x4  }
0x3: {  	s0 =	stileid.u32;
	s1 =	sand.u32 $0x10, s1  }
0x4: {  	s1 =	sor.u32 s0, s1  }
0x5: {  	s6 =	rddreg [dreg:$0x0];
	s4 =	simm.s32 $0x1;
	s2 =	sshll.u32 s1, $0x7  }
0x6: {  	s7 =	simm.s32 $0x2;
	s12 =	simm.s32 $0x0;
	s1 =	ssub.s32 $0x1000, s2  }
0x7: {  	s8 =	simm.s32 $0x8000;
	s13 =	simm.s32 $0x0;
	s3 =	sand.u32 $0xF80, s1  }
0x8: {  	s9 =	simm.s32 $0x0;
	s5 =	sshrl.u32 s1, $0xC;
	p0 =	sne.s32 s3, $0x0  }
.Ltmp0:
0x9: {  	s1 =	rddreg [dreg:$0x2];
	s4 =	simm.s32 @!p0 $0x0;
	(pc) =	sbr.rel .LBB1_1-.Ltmp0, $4  }
0xa: {  	s11 =	simm.s32 $0x0;
	s3 =	rddreg [dreg:$0x1];
	s5 =	sadd.s32 s4, s5  }
0xb: {  	_ =	strace $0x8000004D;
	s4 =	simm.s32 $0x1;
	s5 =	smul.u32 $0xC8, s5  }
0xc: {  	s6 =	sadd.s32 $0xC82000, s6;
	s10 =	smov.u32 s2;
	[sflag:s4] =	ssyncpa.u1 $0x0  }
0xd: {  	p0 =	por $0x0, $0x0;
	[sflag:s7] =	ssyncpa.u1 $0x0;
	s7 =	sor.u32 $0x1, s5  }
.LBB1_4:
0xe: {  	s16 =	sshll.u32 s13, $0x3;
	s17 =	sand.u32 $0x78, s13  }
0xf: {  	s30 =	sand.u32 $0x7E00, s13;
	s12 =	sshll.u32 s12, $0xF;
	s16 =	sand.u32 $0xC00, s16  }
0x10: {  	[tilespmem:s15+$0x810 ss:$0x81] =	vst.msk $0xffff, v2;
	s31 =	sand.u32 $0x7, s13;
	s16 =	sor.u32 s17, s16;
	s17 =	sadd.s32 s3, s30  }
0x11: {  	[tilespmem:s15+$0x1020 ss:$0x81] =	vst.msk $0xffff, v0;
	s13 =	sshll.u32 s31, $0x12;
	s12 =	sadd.s32 s12, s17;
	s16 =	sshrl.u32 s16, $0x3  }
0x12: {  	[tilespmem:s15+$0x0 ss:$0x81] =	vst.msk $0xffff, v1;
	s13 =	sor.u32 $0x400, s13;
	s12 =	sadd.s32 s16, s12  }
0x13: {  	[hbm4b:s12+s13] =	stream.strided.scatter [tilespmem:s14], [sflag:$0x2], $0x2000, s8, s13, $0x20;
	[tilespmem:$0x8080] =	vst v63  }
.LBB1_5:
0x14: {  	s14 =	sadd.s32 $0x1, s9  }
0x15: {  	s12 =	sadd.s32 $0x1000, s10;
	s16 =	smov.u32 s10;
	p2 =	sgt.s32 s14, $0xC7  }
0x16: {  	s16 =	smov.u32 @p2 s12  }
0x17: {  	s14 =	simm.s32 @p2 $0x0;
	p2 =	sgt.s32 s16, $0xFFF  }
0x18: {  	s16 =	smov.u32 @p2 s2;
	p2 =	sne.s32 s11, s7  }
.Ltmp1:
0x19: {  	p1 =	slt.u32 s11, $0x2;
	(pc) =	sbr.rel @!p2 .LBB1_6-.Ltmp1, $4  }
0x1a: {  	s15 =	simm.s32 @!p1 $0x2  }
0x1b: {  	s13 =	smov.u32 s10;
	p0 =	por !p0, !p0;
	_ =	swait.ge @!p1 [sflag:s15], $0x2000  }
0x1c: {  	s12 =	smov.u32 s9;
	[sflag:s15] =	ssyncset.done @!p1 $0x0;
	s9 =	smov.u32 s14  }
0x1d: {  	s11 =	sadd.s32 $0x1, s11;
	[sflag:s15] =	ssyncadd.s32 @!p1 $0xFFFFE000;
	s10 =	smov.u32 s16  }
.LBB1_1:
0x1e: {  	p1 =	sge.u32 s11, s5  }
0x1f: {  	s14 =	sand.u32 @!p1 $0x1FFFFFF, s9  }
0x20: {  	s15 =	smulhi.u32 @!p1 $0x147AE15, s14;
	_ =	sdelay $0x1  }
0x21: {  	s15 =	smul.u32 @!p1 $0xC8, s15  }
0x22: {  	s16 =	sxor.u32 @!p1 $0xFFFFFFFF, s11;
	s17 =	smul.u32 @!p1 $0xC80, s10  }
0x23: {  	s31 =	sadd.s32 $0xFFFFFFFF, s11;
	s16 =	sshll.u32 @!p1 s16, $0xD;
	s14 =	ssub.s32 @!p1 s14, s15  }
0x24: {  	s15 =	sand.u32 @!p1 $0x2000, s16;
	s16 =	sadd.s32 @!p1 s6, s17;
	s14 =	sshll.u32 @!p1 s14, $0x4  }
0x25: {  	s17 =	simm.s32 @!p1 $0x6400;
	s14 =	sadd.s32 @!p1 s14, s16;
	s16 =	simm.s32 @!p1 $0x40  }
0x26: {  	[tilespmem:s15], [sflag:$0x1] =	stream.strided.gather @!p1 [hbm4b:s14+s16], $0x2000, s17, s16, $0x38;
	[tilespmem:$0x8080] =	vst v63  }
0x27: {  	p1 =	sge.u32 s31, s5  }
.Ltmp2:
0x28: {  	_ = 	snop;
	(pc) =	sbr.rel @p1 .LBB1_5-.Ltmp2, $1  }
0x29: {  	_ =	sdelay $0x3  }
0x2a: {  	s14 =	simm.s32 $0x1  }
0x2b: {  	_ =	swait.ge [sflag:s4], $0x2000;
	s14 =	simm.s32 @!p0 $0x0  }
0x2c: {  	[sflag:s4] =	ssyncset.done $0x0;
	s15 =	sshll.u32 s14, $0xD  }
0x2d: {  	[sflag:s4] =	ssyncadd.s32 $0xFFFFE000;
	s18 =	sor.u32 $0x20, s15  }
0x2e: {  	s14 =	smul.u32 $0x8100, s14;
	v3 =	vld [tilespmem:s18+$0x10]  }
0x2f: {  	s30 =	sand.u32 $0x1, s11;
	v2 =	vld [tilespmem:s18+$0xFFFFFFF0]  }
0x30: {  	s15 =	smul.u32 $0x8100, s30;
	s14 =	sshrl.u32 s14, $0x2;
	v0 =	vld [tilespmem:s18+$0x0]  }
0x31: {  	v1 =	vld [tilespmem:s18+$0xFFFFFFE0];
	s16 =	sor.u32 $0x4000, s14  }
0x32: {  	s31 =	sshrl.u32 s15, $0x2;
	s15 =	sadd.s32 $0x0, s16  }
0x33: {  	s17 =	simm.s32 $0x4;
	s18 =	sadd.s32 $0x40, s18;
	s14 =	sor.u32 $0x4000, s31;
	[tilespmem:s15+$0x1830 ss:$0x81] =	vst.msk $0xffff, v3  }
.LBB1_3:
0x34: {  	v3 =	vld [tilespmem:s18+$0x10];
	p1 =	sne.s32 s17, $0x1FC;
	[tilespmem:s15+$0x810 ss:$0x81] =	vst.msk $0xffff, v2;
	s19 =	smov.u32 s17;
	s17 =	sadd.s32 $0x4, s17  }
.Ltmp3:
0x35: {  	v2 =	vld [tilespmem:s18+$0xFFFFFFF0];
	[tilespmem:s15+$0x1020 ss:$0x81] =	vst.msk $0xffff, v0;
	(pc) =	sbr.rel @p1 .LBB1_3-.Ltmp3, $4  }
0x36: {  	v0 =	vld [tilespmem:s18+$0x0];
	[tilespmem:s15+$0x0 ss:$0x81] =	vst.msk $0xffff, v1  }
0x37: {  	s15 =	sshra.s32 s19, $0x2;
	v1 =	vld [tilespmem:s18+$0xFFFFFFE0]  }
0x38: {  	s15 =	sadd.s32 s15, s16  }
0x39: {  	s18 =	sadd.s32 $0x40, s18;
	[tilespmem:s15+$0x1830 ss:$0x81] =	vst.msk $0xffff, v3  }
.Ltmp4:
0x3a: {  	_ = 	snop;
	(pc) =	sbr.rel .LBB1_4-.Ltmp4, $1  }
0x3b: {  	_ =	sdelay $0x3  }
.LBB1_6:
0x3c: {  	_ =	sfence.sel $0x180000  }
0x3d: {  	s2 =	simm.s32 $0x1;
	[bflag:$0x0] =	sbarrier.arrive $0xFFFF  }
0x3e: {  	s31 =	simm.s32 $0x2;
	[sflag:s2] =	ssyncpa.u1 $0x1  }
0x3f: {  	[sflag:s31] =	ssyncpa.u1 $0x1  }
0x40: {  	p0 =	sne.s32 s0, $0x0;
	_ =	strace $0x9000004D  }
0x41: {  	s0 =	sadd.s32 @!p0 $0x100000, s1;
	[bflag:$0x2] =	sbarrier.arrive $0xFFFF  }
0x42: {  	[sflag:s0] =	ssyncadd.tile.s32 @!p0 $0x1;
	_ =	shalt  }
.Lfunc_end1:
_tile_overlayer_lowered:
.L_overlay_start_2:
0x43: {  	(tag) =	ssettag $0x2  }
0x44: {  	s0 =	rddreg [dreg:$0x0];
	s2 =	stileid.u32  }
0x45: {  	s1 =	rddreg [dreg:$0x1];
	p0 =	sne.s32 s2, $0x0  }
0x46: {  	s3 =	rddreg [dreg:$0x2];
	[bflag:$0x3] =	sbarrier.arrive $0xFFFF;
	s2 =	simm.s32 @!p0 $0x1C01  }
0x47: {  	[timem:s3], [sflag:s2] =	dma.local @!p0 [hbm:s0], s1  }
0x48: {  	s0 =	simm.s32 @!p0 $0x1  }
0x49: {  	_ =	swait.ge @!p0 [sflag:s0], s1  }
0x4a: {  	s1 =	ssub.s32 @!p0 $0x0, s1;
	[sflag:s0] =	ssyncset.done @!p0 $0x0  }
0x4b: {  	[sflag:s0] =	ssyncadd.s32 @!p0 s1  }
0x4c: {  	[bflag:$0x3] =	sbarrier.arrive $0xFFFF  }
0x4d: {  	_ =	shalt  }

</sc_bundles>
